<compile_context>
chip_gen: v7x
topology: tpu7x:2x2x1
jax: 0.10.2.dev20260603
libtpu: 0.0.44.dev20260713+nightly
codegen_flags: <defaults>
</compile_context>

<pallas_src>
import functools

import jax
import jax.numpy as jnp
from jax import lax
from jax.experimental import pallas as pl
from jax.experimental.pallas import tpu as pltpu
from jax.experimental.pallas import tpu_sc as plsc

N = 10000
E = 320000
FIN = 128
FOUT = 32

NC = 2
NS = 16
NW = NC * NS
CHUNK = 128
NCHUNK = 79
EPW = NCHUNK * CHUNK
EPAD = EPW * NW

DUMP = 10008
SP_H = 10016
SP_Z = NCHUNK * CHUNK
ZROWS_PER_TILE = SP_Z // NS
SP_D = 10240

_mesh = plsc.VectorSubcoreMesh(core_axis_name="c", subcore_axis_name="s")


def _zeros16():
    return jnp.zeros((16,), jnp.float32)


def _ones16():
    return jnp.ones((16,), jnp.float32)


@functools.partial(
    pl.kernel,
    out_type=[
        jax.ShapeDtypeStruct((NW, SP_D), jnp.float32),
        jax.ShapeDtypeStruct((NW, SP_D), jnp.float32),
    ],
    mesh=_mesh,
    compiler_params=pltpu.CompilerParams(needs_layout_passes=False),
    scratch_types=[
        pltpu.VMEM((NCHUNK, CHUNK), jnp.int32),
        pltpu.VMEM((NCHUNK, CHUNK), jnp.int32),
        pltpu.VMEM((SP_D,), jnp.float32),
        pltpu.VMEM((SP_D,), jnp.float32),
    ],
)
def _deg_kernel(src_hbm, dst_hbm, degs_out, degd_out, ids_v, idd_v, hls, hld):
    cid = lax.axis_index("c")
    sid = lax.axis_index("s")
    w = cid * NS + sid

    pltpu.sync_copy(src_hbm.at[w], ids_v)
    pltpu.sync_copy(dst_hbm.at[w], idd_v)

    def zero_row(i, _):
        z = _zeros16()
        hls[pl.ds(i * 16, 16)] = z
        hld[pl.ds(i * 16, 16)] = z
        return 0
    lax.fori_loop(0, SP_D // 16, zero_row, 0)

    def accum(i, _):
        vs = ids_v[i // 8, pl.ds((i % 8) * 16, 16)]
        plsc.addupdate_scatter(hls, [vs], _ones16())
        vd = idd_v[i // 8, pl.ds((i % 8) * 16, 16)]
        plsc.addupdate_scatter(hld, [vd], _ones16())
        return 0
    lax.fori_loop(0, EPW // 16, accum, 0)

    pltpu.sync_copy(hls, degs_out.at[w])
    pltpu.sync_copy(hld, degd_out.at[w])


@functools.partial(
    pl.kernel,
    out_type=jax.ShapeDtypeStruct((NC, SP_Z, FOUT), jnp.float32),
    mesh=_mesh,
    compiler_params=pltpu.CompilerParams(use_tc_tiling_on_sc=False),
    scratch_types=[
        pltpu.VMEM((NCHUNK, CHUNK), jnp.int32),
        pltpu.VMEM((NCHUNK, CHUNK), jnp.int32),
        [pltpu.VMEM((CHUNK, FOUT), jnp.float32)] * 4,
        pltpu.VMEM((CHUNK, FOUT), jnp.float32),
        pltpu.VMEM_SHARED((SP_Z, FOUT), jnp.float32),
        [pltpu.SemaphoreType.DMA] * 4,
        [pltpu.SemaphoreType.DMA] * 4,
    ],
)
def _msg_kernel(h_hbm, src_hbm, dst_hbm, zp_out,
                ids_v, idd_v, bufs, zblk, shz, semg, sems):
    cid = lax.axis_index("c")
    sid = lax.axis_index("s")
    w = cid * NS + sid

    pltpu.sync_copy(src_hbm.at[w], ids_v)
    pltpu.sync_copy(dst_hbm.at[w], idd_v)

    def zero_row(i, _):
        z = _zeros16()
        zblk[i, pl.ds(0, 16)] = z
        zblk[i, pl.ds(16, 16)] = z
        return 0
    lax.fori_loop(0, CHUNK, zero_row, 0)

    for k in range((NCHUNK + NS - 1) // NS):
        j = sid + k * NS

        @pl.when(j < NCHUNK)
        def _():
            pltpu.sync_copy(zblk, shz.at[pl.ds(j * CHUNK, CHUNK)])

    plsc.subcore_barrier()

    pltpu.async_copy(h_hbm.at[ids_v.at[0]], bufs[0], semg[0])

    def edge_group(g, _):
        for u in range(4):
            k = 4 * g + u
            bn = (u + 1) % 4
            kn = k + 1

            @pl.when(kn < NCHUNK)
            def _():
                @pl.when(k - 3 >= 0)
                def _():
                    pltpu.make_async_copy(
                        bufs[bn], shz.at[idd_v.at[0]], sems[bn]).wait()
                pltpu.async_copy(h_hbm.at[ids_v.at[kn]], bufs[bn], semg[bn])

            @pl.when(k < NCHUNK)
            def _():
                pltpu.make_async_copy(
                    h_hbm.at[ids_v.at[k]], bufs[u], semg[u]).wait()
                pltpu.async_copy(bufs[u], shz.at[idd_v.at[k]], sems[u],
                                 add=True)
        return 0
    lax.fori_loop(0, (NCHUNK + 3) // 4, edge_group, 0)

    for u in range(4):
        pltpu.make_async_copy(bufs[u], shz.at[idd_v.at[0]], sems[u]).wait()

    plsc.subcore_barrier()

    base = sid * ZROWS_PER_TILE
    pltpu.sync_copy(shz.at[pl.ds(base, ZROWS_PER_TILE)],
                    zp_out.at[cid].at[pl.ds(base, ZROWS_PER_TILE)])


def _mm_body(x_ref, w_ref, degs_ref, h_ref):
    deg = jnp.sum(degs_ref[:, :N], axis=0)
    ns = lax.rsqrt(jnp.maximum(deg, 1.0))
    wsum = w_ref[0] + w_ref[1] + w_ref[2]
    hv = jnp.dot(x_ref[...] * ns[:, None], wsum,
                 preferred_element_type=jnp.float32)
    h_ref[...] = jnp.concatenate(
        [hv, jnp.zeros((SP_H - N, FOUT), jnp.float32)], axis=0)


def _fin_body(zp_ref, degd_ref, z_ref):
    degd = jnp.sum(degd_ref[:, :N], axis=0)
    nd = lax.rsqrt(jnp.maximum(degd, 1.0))
    z_ref[...] = (zp_ref[0, :N, :] + zp_ref[1, :N, :]) * nd[:, None]


_mm_call = pl.pallas_call(
    _mm_body, out_shape=jax.ShapeDtypeStruct((SP_H, FOUT), jnp.float32))
_fin_call = pl.pallas_call(
    _fin_body, out_shape=jax.ShapeDtypeStruct((N, FOUT), jnp.float32))


@jax.jit
def kernel(edge_index, X, W):
    ei = edge_index.astype(jnp.int32)
    pad = jnp.full((EPAD - E,), DUMP, jnp.int32)
    src3 = jnp.concatenate([ei[0], pad]).reshape(NW, NCHUNK, CHUNK)
    dst3 = jnp.concatenate([ei[1], pad]).reshape(NW, NCHUNK, CHUNK)

    degs, degd = _deg_kernel(src3, dst3)
    h = _mm_call(X, W, degs)
    zp = _msg_kernel(h, src3, dst3)
    return _fin_call(zp, degd)

# --- scband reference (transcript-rebuilt; emitter-appended) ---
"""Pipeline reference for scband-rgcn-layer-20418274525632 (READ-ONLY COPY).

The authoritative reference and input builder live on the scoring server;
editing this copy changes nothing except your own understanding.
"""

import jax, jax.numpy as jnp
import numpy as np

N_NODES = 10000
N_EDGES = 320000
IN_FEAT = 128
OUT_FEAT = 32
NUM_REL = 3


def setup_inputs(seed: int = 0) -> dict:
    key = jax.random.key(seed)
    k1, k2, k3 = jax.random.split(key, 3)
    edge_index = jax.random.randint(k1, (2, N_EDGES), 0, N_NODES, dtype=jnp.int64)
    X = jax.random.normal(k2, (N_NODES, IN_FEAT), dtype=jnp.float32)
    # One GraphConv weight per relation (weight=True, bias=False), stacked.
    # DGL GraphConv uses xavier_uniform init; scale similarly.
    limit = float(np.sqrt(6.0 / (IN_FEAT + OUT_FEAT)))
    W = jax.random.uniform(k3, (NUM_REL, IN_FEAT, OUT_FEAT), dtype=jnp.float32, minval=-limit, maxval=limit)
    return {"edge_index": edge_index, "X": X, "W": W}


def _graph_conv(edge_index, X, Wr):
    # DGL GraphConv with norm='both', weight=True, bias=False, activation=None,
    # allow_zero_in_degree=True.
    src = edge_index[0]
    dst = edge_index[1]
    N = X.shape[0]
    ones = jnp.ones(src.shape[0], dtype=jnp.float32)
    deg_out = jnp.maximum(jax.ops.segment_sum(ones, src, num_segments=N), 1.0)
    deg_in = jnp.maximum(jax.ops.segment_sum(ones, dst, num_segments=N), 1.0)
    norm_src = jnp.power(deg_out, -0.5)
    norm_dst = jnp.power(deg_in, -0.5)
    # src normalization
    h = X * norm_src[:, None]
    # in_feats > out_feats: multiply by W first, then aggregate (DGL mult-first path)
    h = h @ Wr
    # message passing: gather at src, scatter-add at dst
    msgs = jnp.take(h, src, axis=0)
    agg = jax.ops.segment_sum(msgs, dst, num_segments=N)
    # dst normalization
    return agg * norm_dst[:, None]


def reference(edge_index, X, W):
    mes = []
    for i in range(NUM_REL):
        mes.append(_graph_conv(edge_index, X, W[i]))
    Z = jnp.stack(mes, axis=0).sum(0)
    return Z

if __name__ == "__main__":
    import jax
    _d = setup_inputs()
    print(jax.jit(kernel)(*tuple(_d.values())))

</pallas_src>

<mosaic_0001>
#map = affine_map<(d0, d1) -> (0, 0, 0)>
#map1 = affine_map<(d0, d1) -> (0, 0)>
module attributes {stable_mosaic.version = 14 : i64} {
  func.func @_deg_kernel(%arg0: i32, %arg1: i32, %arg2: memref<32x79x128xi32, #tpu.memory_space<hbm>>, %arg3: memref<32x79x128xi32, #tpu.memory_space<hbm>>, %arg4: memref<32x10240xf32, #tpu.memory_space<hbm>>, %arg5: memref<32x10240xf32, #tpu.memory_space<hbm>>, %arg6: memref<79x128xi32, #tpu.memory_space<vmem>>, %arg7: memref<79x128xi32, #tpu.memory_space<vmem>>, %arg8: memref<10240xf32, #tpu.memory_space<vmem>>, %arg9: memref<10240xf32, #tpu.memory_space<vmem>>) attributes {dimension_semantics = [#tpu.dimension_semantics<core_parallel>, #tpu.dimension_semantics<subcore_parallel>], iteration_bounds = array<i64: 2, 16>, scalar_prefetch = 0 : i64, scratch_operands = 4 : i64, tpu.core_type = #tpu.core_type<sc_vector_subcore>, window_params = [{transform_indices = #map}, {transform_indices = #map}, {transform_indices = #map1}, {transform_indices = #map1}]} {
    %mul3A = arith.constant 16 : i32
    %mul3A_0 = arith.muli %arg0, %mul3A : i32
    %add3A = arith.addi %mul3A_0, %arg1 : i32
    "tpu.region"() ({
      %run_scoped3A = tpu.sem_alloc : memref<!tpu.dma_semaphore, #tpu.memory_space<semaphore_mem>>
      %dma_start3A = arith.constant 0 : i32
      %dma_start3A_14 = arith.constant 0 : i32
      %dma_start3A_15 = tpu.memref_slice %arg2[%add3A, %dma_start3A, %dma_start3A_14] : memref<32x79x128xi32, #tpu.memory_space<hbm>> -> memref<1x79x128xi32, #tpu.memory_space<hbm>>
      %dma_start3A_16 = tpu.memref_squeeze %dma_start3A_15 : memref<1x79x128xi32, #tpu.memory_space<hbm>> -> memref<79x128xi32, #tpu.memory_space<hbm>>
      %dma_start3A_17 = arith.constant 0 : i32
      %dma_start3A_18 = arith.constant 0 : i32
      %dma_start3A_19 = tpu.memref_slice %arg2[%add3A, %dma_start3A_17, %dma_start3A_18] : memref<32x79x128xi32, #tpu.memory_space<hbm>> -> memref<1x79x128xi32, #tpu.memory_space<hbm>>
      %dma_start3A_20 = tpu.memref_squeeze %dma_start3A_19 : memref<1x79x128xi32, #tpu.memory_space<hbm>> -> memref<79x128xi32, #tpu.memory_space<hbm>>
      tpu.enqueue_dma source(%dma_start3A_20 : memref<79x128xi32, #tpu.memory_space<hbm>>) target(%arg6 : memref<79x128xi32, #tpu.memory_space<vmem>>) target_semaphore(%run_scoped3A : memref<!tpu.dma_semaphore, #tpu.memory_space<semaphore_mem>>)
      %dma_wait3A = arith.constant 0 : i32
      %dma_wait3A_21 = arith.constant 0 : i32
      %dma_wait3A_22 = tpu.memref_slice %arg2[%add3A, %dma_wait3A, %dma_wait3A_21] : memref<32x79x128xi32, #tpu.memory_space<hbm>> -> memref<1x79x128xi32, #tpu.memory_space<hbm>>
      %dma_wait3A_23 = tpu.memref_squeeze %dma_wait3A_22 : memref<1x79x128xi32, #tpu.memory_space<hbm>> -> memref<79x128xi32, #tpu.memory_space<hbm>>
      %dma_wait3A_24 = arith.constant 0 : i32
      %dma_wait3A_25 = arith.constant 0 : i32
      %dma_wait3A_26 = tpu.memref_slice %arg2[%add3A, %dma_wait3A_24, %dma_wait3A_25] : memref<32x79x128xi32, #tpu.memory_space<hbm>> -> memref<1x79x128xi32, #tpu.memory_space<hbm>>
      %dma_wait3A_27 = tpu.memref_squeeze %dma_wait3A_26 : memref<1x79x128xi32, #tpu.memory_space<hbm>> -> memref<79x128xi32, #tpu.memory_space<hbm>>
      tpu.wait_dma2 semaphore(%run_scoped3A : memref<!tpu.dma_semaphore, #tpu.memory_space<semaphore_mem>>) src(%dma_wait3A_27 : memref<79x128xi32, #tpu.memory_space<hbm>>) dst(%arg6 : memref<79x128xi32, #tpu.memory_space<vmem>>)
      tpu.yield
    }) : () -> ()
    "tpu.region"() ({
      %run_scoped3A = tpu.sem_alloc : memref<!tpu.dma_semaphore, #tpu.memory_space<semaphore_mem>>
      %dma_start3A = arith.constant 0 : i32
      %dma_start3A_14 = arith.constant 0 : i32
      %dma_start3A_15 = tpu.memref_slice %arg3[%add3A, %dma_start3A, %dma_start3A_14] : memref<32x79x128xi32, #tpu.memory_space<hbm>> -> memref<1x79x128xi32, #tpu.memory_space<hbm>>
      %dma_start3A_16 = tpu.memref_squeeze %dma_start3A_15 : memref<1x79x128xi32, #tpu.memory_space<hbm>> -> memref<79x128xi32, #tpu.memory_space<hbm>>
      %dma_start3A_17 = arith.constant 0 : i32
      %dma_start3A_18 = arith.constant 0 : i32
      %dma_start3A_19 = tpu.memref_slice %arg3[%add3A, %dma_start3A_17, %dma_start3A_18] : memref<32x79x128xi32, #tpu.memory_space<hbm>> -> memref<1x79x128xi32, #tpu.memory_space<hbm>>
      %dma_start3A_20 = tpu.memref_squeeze %dma_start3A_19 : memref<1x79x128xi32, #tpu.memory_space<hbm>> -> memref<79x128xi32, #tpu.memory_space<hbm>>
      tpu.enqueue_dma source(%dma_start3A_20 : memref<79x128xi32, #tpu.memory_space<hbm>>) target(%arg7 : memref<79x128xi32, #tpu.memory_space<vmem>>) target_semaphore(%run_scoped3A : memref<!tpu.dma_semaphore, #tpu.memory_space<semaphore_mem>>)
      %dma_wait3A = arith.constant 0 : i32
      %dma_wait3A_21 = arith.constant 0 : i32
      %dma_wait3A_22 = tpu.memref_slice %arg3[%add3A, %dma_wait3A, %dma_wait3A_21] : memref<32x79x128xi32, #tpu.memory_space<hbm>> -> memref<1x79x128xi32, #tpu.memory_space<hbm>>
      %dma_wait3A_23 = tpu.memref_squeeze %dma_wait3A_22 : memref<1x79x128xi32, #tpu.memory_space<hbm>> -> memref<79x128xi32, #tpu.memory_space<hbm>>
      %dma_wait3A_24 = arith.constant 0 : i32
      %dma_wait3A_25 = arith.constant 0 : i32
      %dma_wait3A_26 = tpu.memref_slice %arg3[%add3A, %dma_wait3A_24, %dma_wait3A_25] : memref<32x79x128xi32, #tpu.memory_space<hbm>> -> memref<1x79x128xi32, #tpu.memory_space<hbm>>
      %dma_wait3A_27 = tpu.memref_squeeze %dma_wait3A_26 : memref<1x79x128xi32, #tpu.memory_space<hbm>> -> memref<79x128xi32, #tpu.memory_space<hbm>>
      tpu.wait_dma2 semaphore(%run_scoped3A : memref<!tpu.dma_semaphore, #tpu.memory_space<semaphore_mem>>) src(%dma_wait3A_27 : memref<79x128xi32, #tpu.memory_space<hbm>>) dst(%arg7 : memref<79x128xi32, #tpu.memory_space<vmem>>)
      tpu.yield
    }) : () -> ()
    %scan3A = arith.constant 0 : i32
    %scan3A_1 = arith.constant 0 : i32
    %scan3A_2 = arith.constant 640 : i32
    %scan3A_3 = arith.addi %scan3A_1, %scan3A_2 : i32
    %scan3A_4 = arith.constant 1 : i32
    %scan3A_5 = scf.for %scan3A_14 = %scan3A_1 to %scan3A_3 step %scan3A_4 iter_args(%scan3A_15 = %scan3A) -> (i32)  : i32 {
      %broadcast_in_dim3A = arith.constant 0.000000e+00 : f32
      %broadcast_in_dim3A_16 = vector.broadcast %broadcast_in_dim3A : f32 to vector<16xf32>
      %mul3A_17 = arith.constant 16 : i32
      %mul3A_18 = arith.muli %scan3A_14, %mul3A_17 : i32
      %swap3A = arith.index_cast %mul3A_18 : i32 to index
      %swap3A_19 = tpu.vector_load %arg8[%swap3A] {strides = array<i32>} : memref<10240xf32, #tpu.memory_space<vmem>>, vector<16xf32>,
      tpu.vector_store %arg8[%swap3A], %broadcast_in_dim3A_16 {strides = array<i32>} : memref<10240xf32, #tpu.memory_space<vmem>>, vector<16xf32>,
      %mul3A_20 = arith.constant 16 : i32
      %mul3A_21 = arith.muli %scan3A_14, %mul3A_20 : i32
      %swap3A_22 = arith.index_cast %mul3A_21 : i32 to index
      %swap3A_23 = tpu.vector_load %arg9[%swap3A_22] {strides = array<i32>} : memref<10240xf32, #tpu.memory_space<vmem>>, vector<16xf32>,
      tpu.vector_store %arg9[%swap3A_22], %broadcast_in_dim3A_16 {strides = array<i32>} : memref<10240xf32, #tpu.memory_space<vmem>>, vector<16xf32>,
      %scan3A_24 = arith.constant 0 : i32
      scf.yield %scan3A_24 : i32
    }
    %scan3A_6 = arith.constant 640 : i32
    %scan3A_7 = arith.constant 0 : i32
    %scan3A_8 = arith.constant 0 : i32
    %scan3A_9 = arith.constant 632 : i32
    %scan3A_10 = arith.addi %scan3A_8, %scan3A_9 : i32
    %scan3A_11 = arith.constant 1 : i32
    %scan3A_12 = scf.for %scan3A_14 = %scan3A_8 to %scan3A_10 step %scan3A_11 iter_args(%scan3A_15 = %scan3A_7) -> (i32)  : i32 {
      %jit3A = arith.constant 8 : i32
      %div3A = arith.divsi %scan3A_14, %jit3A : i32
      %sign3A = arith.constant 0 : i32
      %sign3A_16 = arith.cmpi sgt, %scan3A_14, %sign3A : i32
      %sign3A_17 = arith.extui %sign3A_16 : i1 to i32
      %sign3A_18 = arith.constant 0 : i32
      %sign3A_19 = arith.cmpi slt, %scan3A_14, %sign3A_18 : i32
      %sign3A_20 = arith.extui %sign3A_19 : i1 to i32
      %sign3A_21 = arith.subi %sign3A_17, %sign3A_20 : i32
      %sign3A_22 = arith.constant 0 : i32
      %sign3A_23 = arith.cmpi sgt, %jit3A, %sign3A_22 : i32
      %sign3A_24 = arith.extui %sign3A_23 : i1 to i32
      %sign3A_25 = arith.constant 0 : i32
      %sign3A_26 = arith.cmpi slt, %jit3A, %sign3A_25 : i32
      %sign3A_27 = arith.extui %sign3A_26 : i1 to i32
      %sign3A_28 = arith.subi %sign3A_24, %sign3A_27 : i32
      %ne3A = arith.cmpi ne, %sign3A_21, %sign3A_28 : i32
      %rem3A = arith.remsi %scan3A_14, %jit3A : i32
      %ne3A_29 = arith.constant 0 : i32
      %ne3A_30 = arith.cmpi ne, %rem3A, %ne3A_29 : i32
      %and3A = arith.andi %ne3A, %ne3A_30 : i1
      %sub3A = arith.constant 1 : i32
      %sub3A_31 = arith.subi %div3A, %sub3A : i32
      %select_n3A = arith.select %and3A, %sub3A_31, %div3A : i32
      %jit3A_32 = arith.constant 8 : i32
      %eq3A = arith.constant 0 : i32
      %eq3A_33 = arith.cmpi eq, %jit3A_32, %eq3A : i32
      %jit3A_34 = arith.constant 1 : i32
      %select_n3A_35 = arith.select %eq3A_33, %jit3A_34, %jit3A_32 : i32
      %rem3A_36 = arith.remsi %scan3A_14, %select_n3A_35 : i32
      %ne3A_37 = arith.constant 0 : i32
      %ne3A_38 = arith.cmpi ne, %rem3A_36, %ne3A_37 : i32
      %lt3A = arith.constant 0 : i32
      %lt3A_39 = arith.cmpi slt, %rem3A_36, %lt3A : i32
      %lt3A_40 = arith.constant 0 : i32
      %lt3A_41 = arith.cmpi slt, %select_n3A_35, %lt3A_40 : i32
      %ne3A_42 = arith.xori %lt3A_39, %lt3A_41 : i1
      %and3A_43 = arith.andi %ne3A_42, %ne3A_38 : i1
      %add3A_44 = arith.addi %rem3A_36, %select_n3A_35 : i32
      %select_n3A_45 = arith.select %and3A_43, %add3A_44, %rem3A_36 : i32
      %mul3A_46 = arith.constant 16 : i32
      %mul3A_47 = arith.muli %select_n3A_45, %mul3A_46 : i32
      %get3A = arith.index_cast %select_n3A : i32 to index
      %get3A_48 = arith.index_cast %mul3A_47 : i32 to index
      %get3A_49 = tpu.vector_load %arg6[%get3A, %get3A_48] {strides = array<i32>} : memref<79x128xi32, #tpu.memory_space<vmem>>, vector<16xi32>,
      %broadcast_in_dim3A = arith.constant 1.000000e+00 : f32
      %broadcast_in_dim3A_50 = vector.broadcast %broadcast_in_dim3A : f32 to vector<16xf32>
      tpu.vector_store_idx %arg8[%get3A_49], %broadcast_in_dim3A_50 {add = true} : memref<10240xf32, #tpu.memory_space<vmem>>[vector<16xi32>], vector<16xf32>,
      %jit3A_51 = arith.constant 8 : i32
      %div3A_52 = arith.divsi %scan3A_14, %jit3A_51 : i32
      %sign3A_53 = arith.constant 0 : i32
      %sign3A_54 = arith.cmpi sgt, %scan3A_14, %sign3A_53 : i32
      %sign3A_55 = arith.extui %sign3A_54 : i1 to i32
      %sign3A_56 = arith.constant 0 : i32
      %sign3A_57 = arith.cmpi slt, %scan3A_14, %sign3A_56 : i32
      %sign3A_58 = arith.extui %sign3A_57 : i1 to i32
      %sign3A_59 = arith.subi %sign3A_55, %sign3A_58 : i32
      %sign3A_60 = arith.constant 0 : i32
      %sign3A_61 = arith.cmpi sgt, %jit3A_51, %sign3A_60 : i32
      %sign3A_62 = arith.extui %sign3A_61 : i1 to i32
      %sign3A_63 = arith.constant 0 : i32
      %sign3A_64 = arith.cmpi slt, %jit3A_51, %sign3A_63 : i32
      %sign3A_65 = arith.extui %sign3A_64 : i1 to i32
      %sign3A_66 = arith.subi %sign3A_62, %sign3A_65 : i32
      %ne3A_67 = arith.cmpi ne, %sign3A_59, %sign3A_66 : i32
      %rem3A_68 = arith.remsi %scan3A_14, %jit3A_51 : i32
      %ne3A_69 = arith.constant 0 : i32
      %ne3A_70 = arith.cmpi ne, %rem3A_68, %ne3A_69 : i32
      %and3A_71 = arith.andi %ne3A_67, %ne3A_70 : i1
      %sub3A_72 = arith.constant 1 : i32
      %sub3A_73 = arith.subi %div3A_52, %sub3A_72 : i32
      %select_n3A_74 = arith.select %and3A_71, %sub3A_73, %div3A_52 : i32
      %jit3A_75 = arith.constant 8 : i32
      %eq3A_76 = arith.constant 0 : i32
      %eq3A_77 = arith.cmpi eq, %jit3A_75, %eq3A_76 : i32
      %jit3A_78 = arith.constant 1 : i32
      %select_n3A_79 = arith.select %eq3A_77, %jit3A_78, %jit3A_75 : i32
      %rem3A_80 = arith.remsi %scan3A_14, %select_n3A_79 : i32
      %ne3A_81 = arith.constant 0 : i32
      %ne3A_82 = arith.cmpi ne, %rem3A_80, %ne3A_81 : i32
      %lt3A_83 = arith.constant 0 : i32
      %lt3A_84 = arith.cmpi slt, %rem3A_80, %lt3A_83 : i32
      %lt3A_85 = arith.constant 0 : i32
      %lt3A_86 = arith.cmpi slt, %select_n3A_79, %lt3A_85 : i32
      %ne3A_87 = arith.xori %lt3A_84, %lt3A_86 : i1
      %and3A_88 = arith.andi %ne3A_87, %ne3A_82 : i1
      %add3A_89 = arith.addi %rem3A_80, %select_n3A_79 : i32
      %select_n3A_90 = arith.select %and3A_88, %add3A_89, %rem3A_80 : i32
      %mul3A_91 = arith.constant 16 : i32
      %mul3A_92 = arith.muli %select_n3A_90, %mul3A_91 : i32
      %get3A_93 = arith.index_cast %select_n3A_74 : i32 to index
      %get3A_94 = arith.index_cast %mul3A_92 : i32 to index
      %get3A_95 = tpu.vector_load %arg7[%get3A_93, %get3A_94] {strides = array<i32>} : memref<79x128xi32, #tpu.memory_space<vmem>>, vector<16xi32>,
      %broadcast_in_dim3A_96 = arith.constant 1.000000e+00 : f32
      %broadcast_in_dim3A_97 = vector.broadcast %broadcast_in_dim3A_96 : f32 to vector<16xf32>
      tpu.vector_store_idx %arg9[%get3A_95], %broadcast_in_dim3A_97 {add = true} : memref<10240xf32, #tpu.memory_space<vmem>>[vector<16xi32>], vector<16xf32>,
      %scan3A_98 = arith.constant 0 : i32
      scf.yield %scan3A_98 : i32
    }
    %scan3A_13 = arith.constant 632 : i32
    "tpu.region"() ({
      %run_scoped3A = tpu.sem_alloc : memref<!tpu.dma_semaphore, #tpu.memory_space<semaphore_mem>>
      %dma_start3A = arith.constant 0 : i32
      %dma_start3A_14 = tpu.memref_slice %arg4[%add3A, %dma_start3A] : memref<32x10240xf32, #tpu.memory_space<hbm>> -> memref<1x10240xf32, #tpu.memory_space<hbm>>
      %dma_start3A_15 = tpu.memref_squeeze %dma_start3A_14 : memref<1x10240xf32, #tpu.memory_space<hbm>> -> memref<10240xf32, #tpu.memory_space<hbm>>
      %dma_start3A_16 = arith.constant 0 : i32
      %dma_start3A_17 = tpu.memref_slice %arg4[%add3A, %dma_start3A_16] : memref<32x10240xf32, #tpu.memory_space<hbm>> -> memref<1x10240xf32, #tpu.memory_space<hbm>>
      %dma_start3A_18 = tpu.memref_squeeze %dma_start3A_17 : memref<1x10240xf32, #tpu.memory_space<hbm>> -> memref<10240xf32, #tpu.memory_space<hbm>>
      tpu.enqueue_dma source(%arg8 : memref<10240xf32, #tpu.memory_space<vmem>>) target(%dma_start3A_18 : memref<10240xf32, #tpu.memory_space<hbm>>) target_semaphore(%run_scoped3A : memref<!tpu.dma_semaphore, #tpu.memory_space<semaphore_mem>>)
      %dma_wait3A = arith.constant 0 : i32
      %dma_wait3A_19 = tpu.memref_slice %arg4[%add3A, %dma_wait3A] : memref<32x10240xf32, #tpu.memory_space<hbm>> -> memref<1x10240xf32, #tpu.memory_space<hbm>>
      %dma_wait3A_20 = tpu.memref_squeeze %dma_wait3A_19 : memref<1x10240xf32, #tpu.memory_space<hbm>> -> memref<10240xf32, #tpu.memory_space<hbm>>
      %dma_wait3A_21 = arith.constant 0 : i32
      %dma_wait3A_22 = tpu.memref_slice %arg4[%add3A, %dma_wait3A_21] : memref<32x10240xf32, #tpu.memory_space<hbm>> -> memref<1x10240xf32, #tpu.memory_space<hbm>>
      %dma_wait3A_23 = tpu.memref_squeeze %dma_wait3A_22 : memref<1x10240xf32, #tpu.memory_space<hbm>> -> memref<10240xf32, #tpu.memory_space<hbm>>
      tpu.wait_dma2 semaphore(%run_scoped3A : memref<!tpu.dma_semaphore, #tpu.memory_space<semaphore_mem>>) src(%arg8 : memref<10240xf32, #tpu.memory_space<vmem>>) dst(%dma_wait3A_23 : memref<10240xf32, #tpu.memory_space<hbm>>)
      tpu.yield
    }) : () -> ()
    "tpu.region"() ({
      %run_scoped3A = tpu.sem_alloc : memref<!tpu.dma_semaphore, #tpu.memory_space<semaphore_mem>>
      %dma_start3A = arith.constant 0 : i32
      %dma_start3A_14 = tpu.memref_slice %arg5[%add3A, %dma_start3A] : memref<32x10240xf32, #tpu.memory_space<hbm>> -> memref<1x10240xf32, #tpu.memory_space<hbm>>
      %dma_start3A_15 = tpu.memref_squeeze %dma_start3A_14 : memref<1x10240xf32, #tpu.memory_space<hbm>> -> memref<10240xf32, #tpu.memory_space<hbm>>
      %dma_start3A_16 = arith.constant 0 : i32
      %dma_start3A_17 = tpu.memref_slice %arg5[%add3A, %dma_start3A_16] : memref<32x10240xf32, #tpu.memory_space<hbm>> -> memref<1x10240xf32, #tpu.memory_space<hbm>>
      %dma_start3A_18 = tpu.memref_squeeze %dma_start3A_17 : memref<1x10240xf32, #tpu.memory_space<hbm>> -> memref<10240xf32, #tpu.memory_space<hbm>>
      tpu.enqueue_dma source(%arg9 : memref<10240xf32, #tpu.memory_space<vmem>>) target(%dma_start3A_18 : memref<10240xf32, #tpu.memory_space<hbm>>) target_semaphore(%run_scoped3A : memref<!tpu.dma_semaphore, #tpu.memory_space<semaphore_mem>>)
      %dma_wait3A = arith.constant 0 : i32
      %dma_wait3A_19 = tpu.memref_slice %arg5[%add3A, %dma_wait3A] : memref<32x10240xf32, #tpu.memory_space<hbm>> -> memref<1x10240xf32, #tpu.memory_space<hbm>>
      %dma_wait3A_20 = tpu.memref_squeeze %dma_wait3A_19 : memref<1x10240xf32, #tpu.memory_space<hbm>> -> memref<10240xf32, #tpu.memory_space<hbm>>
      %dma_wait3A_21 = arith.constant 0 : i32
      %dma_wait3A_22 = tpu.memref_slice %arg5[%add3A, %dma_wait3A_21] : memref<32x10240xf32, #tpu.memory_space<hbm>> -> memref<1x10240xf32, #tpu.memory_space<hbm>>
      %dma_wait3A_23 = tpu.memref_squeeze %dma_wait3A_22 : memref<1x10240xf32, #tpu.memory_space<hbm>> -> memref<10240xf32, #tpu.memory_space<hbm>>
      tpu.wait_dma2 semaphore(%run_scoped3A : memref<!tpu.dma_semaphore, #tpu.memory_space<semaphore_mem>>) src(%arg9 : memref<10240xf32, #tpu.memory_space<vmem>>) dst(%dma_wait3A_23 : memref<10240xf32, #tpu.memory_space<hbm>>)
      tpu.yield
    }) : () -> ()
    return
  }
}

#map = affine_map<(d0, d1) -> (0, 0)>
#map1 = affine_map<(d0, d1) -> (0, 0, 0)>
module attributes {stable_mosaic.version = 14 : i64} {
  func.func @_msg_kernel(%arg0: i32, %arg1: i32, %arg2: memref<10016x32xf32, #tpu.memory_space<hbm>>, %arg3: memref<32x79x128xi32, #tpu.memory_space<hbm>>, %arg4: memref<32x79x128xi32, #tpu.memory_space<hbm>>, %arg5: memref<2x10112x32xf32, #tpu.memory_space<hbm>>, %arg6: memref<79x128xi32, #tpu.memory_space<vmem>>, %arg7: memref<79x128xi32, #tpu.memory_space<vmem>>, %arg8: memref<128x32xf32, #tpu.memory_space<vmem>>, %arg9: memref<128x32xf32, #tpu.memory_space<vmem>>, %arg10: memref<128x32xf32, #tpu.memory_space<vmem>>, %arg11: memref<128x32xf32, #tpu.memory_space<vmem>>, %arg12: memref<128x32xf32, #tpu.memory_space<vmem>>, %arg13: memref<10112x32xf32, #tpu.memory_space<vmem_shared>>, %arg14: memref<!tpu.dma_semaphore, #tpu.memory_space<semaphore_mem>>, %arg15: memref<!tpu.dma_semaphore, #tpu.memory_space<semaphore_mem>>, %arg16: memref<!tpu.dma_semaphore, #tpu.memory_space<semaphore_mem>>, %arg17: memref<!tpu.dma_semaphore, #tpu.memory_space<semaphore_mem>>, %arg18: memref<!tpu.dma_semaphore, #tpu.memory_space<semaphore_mem>>, %arg19: memref<!tpu.dma_semaphore, #tpu.memory_space<semaphore_mem>>, %arg20: memref<!tpu.dma_semaphore, #tpu.memory_space<semaphore_mem>>, %arg21: memref<!tpu.dma_semaphore, #tpu.memory_space<semaphore_mem>>) attributes {dimension_semantics = [#tpu.dimension_semantics<core_parallel>, #tpu.dimension_semantics<subcore_parallel>], iteration_bounds = array<i64: 2, 16>, scalar_prefetch = 0 : i64, scratch_operands = 16 : i64, tpu.core_type = #tpu.core_type<sc_vector_subcore>, window_params = [{transform_indices = #map}, {transform_indices = #map1}, {transform_indices = #map1}, {transform_indices = #map1}]} {
    %mul3A = arith.constant 16 : i32
    %mul3A_0 = arith.muli %arg0, %mul3A : i32
    %add3A = arith.addi %mul3A_0, %arg1 : i32
    "tpu.region"() ({
      %run_scoped3A = tpu.sem_alloc : memref<!tpu.dma_semaphore, #tpu.memory_space<semaphore_mem>>
      %dma_start3A_82 = arith.constant 0 : i32
      %dma_start3A_83 = arith.constant 0 : i32
      %dma_start3A_84 = tpu.memref_slice %arg3[%add3A, %dma_start3A_82, %dma_start3A_83] : memref<32x79x128xi32, #tpu.memory_space<hbm>> -> memref<1x79x128xi32, #tpu.memory_space<hbm>>
      %dma_start3A_85 = tpu.memref_squeeze %dma_start3A_84 : memref<1x79x128xi32, #tpu.memory_space<hbm>> -> memref<79x128xi32, #tpu.memory_space<hbm>>
      %dma_start3A_86 = arith.constant 0 : i32
      %dma_start3A_87 = arith.constant 0 : i32
      %dma_start3A_88 = tpu.memref_slice %arg3[%add3A, %dma_start3A_86, %dma_start3A_87] : memref<32x79x128xi32, #tpu.memory_space<hbm>> -> memref<1x79x128xi32, #tpu.memory_space<hbm>>
      %dma_start3A_89 = tpu.memref_squeeze %dma_start3A_88 : memref<1x79x128xi32, #tpu.memory_space<hbm>> -> memref<79x128xi32, #tpu.memory_space<hbm>>
      tpu.enqueue_dma source(%dma_start3A_89 : memref<79x128xi32, #tpu.memory_space<hbm>>) target(%arg6 : memref<79x128xi32, #tpu.memory_space<vmem>>) target_semaphore(%run_scoped3A : memref<!tpu.dma_semaphore, #tpu.memory_space<semaphore_mem>>)
      %dma_wait3A_90 = arith.constant 0 : i32
      %dma_wait3A_91 = arith.constant 0 : i32
      %dma_wait3A_92 = tpu.memref_slice %arg3[%add3A, %dma_wait3A_90, %dma_wait3A_91] : memref<32x79x128xi32, #tpu.memory_space<hbm>> -> memref<1x79x128xi32, #tpu.memory_space<hbm>>
      %dma_wait3A_93 = tpu.memref_squeeze %dma_wait3A_92 : memref<1x79x128xi32, #tpu.memory_space<hbm>> -> memref<79x128xi32, #tpu.memory_space<hbm>>
      %dma_wait3A_94 = arith.constant 0 : i32
      %dma_wait3A_95 = arith.constant 0 : i32
      %dma_wait3A_96 = tpu.memref_slice %arg3[%add3A, %dma_wait3A_94, %dma_wait3A_95] : memref<32x79x128xi32, #tpu.memory_space<hbm>> -> memref<1x79x128xi32, #tpu.memory_space<hbm>>
      %dma_wait3A_97 = tpu.memref_squeeze %dma_wait3A_96 : memref<1x79x128xi32, #tpu.memory_space<hbm>> -> memref<79x128xi32, #tpu.memory_space<hbm>>
      tpu.wait_dma2 semaphore(%run_scoped3A : memref<!tpu.dma_semaphore, #tpu.memory_space<semaphore_mem>>) src(%dma_wait3A_97 : memref<79x128xi32, #tpu.memory_space<hbm>>) dst(%arg6 : memref<79x128xi32, #tpu.memory_space<vmem>>)
      tpu.yield
    }) : () -> ()
    "tpu.region"() ({
      %run_scoped3A = tpu.sem_alloc : memref<!tpu.dma_semaphore, #tpu.memory_space<semaphore_mem>>
      %dma_start3A_82 = arith.constant 0 : i32
      %dma_start3A_83 = arith.constant 0 : i32
      %dma_start3A_84 = tpu.memref_slice %arg4[%add3A, %dma_start3A_82, %dma_start3A_83] : memref<32x79x128xi32, #tpu.memory_space<hbm>> -> memref<1x79x128xi32, #tpu.memory_space<hbm>>
      %dma_start3A_85 = tpu.memref_squeeze %dma_start3A_84 : memref<1x79x128xi32, #tpu.memory_space<hbm>> -> memref<79x128xi32, #tpu.memory_space<hbm>>
      %dma_start3A_86 = arith.constant 0 : i32
      %dma_start3A_87 = arith.constant 0 : i32
      %dma_start3A_88 = tpu.memref_slice %arg4[%add3A, %dma_start3A_86, %dma_start3A_87] : memref<32x79x128xi32, #tpu.memory_space<hbm>> -> memref<1x79x128xi32, #tpu.memory_space<hbm>>
      %dma_start3A_89 = tpu.memref_squeeze %dma_start3A_88 : memref<1x79x128xi32, #tpu.memory_space<hbm>> -> memref<79x128xi32, #tpu.memory_space<hbm>>
      tpu.enqueue_dma source(%dma_start3A_89 : memref<79x128xi32, #tpu.memory_space<hbm>>) target(%arg7 : memref<79x128xi32, #tpu.memory_space<vmem>>) target_semaphore(%run_scoped3A : memref<!tpu.dma_semaphore, #tpu.memory_space<semaphore_mem>>)
      %dma_wait3A_90 = arith.constant 0 : i32
      %dma_wait3A_91 = arith.constant 0 : i32
      %dma_wait3A_92 = tpu.memref_slice %arg4[%add3A, %dma_wait3A_90, %dma_wait3A_91] : memref<32x79x128xi32, #tpu.memory_space<hbm>> -> memref<1x79x128xi32, #tpu.memory_space<hbm>>
      %dma_wait3A_93 = tpu.memref_squeeze %dma_wait3A_92 : memref<1x79x128xi32, #tpu.memory_space<hbm>> -> memref<79x128xi32, #tpu.memory_space<hbm>>
      %dma_wait3A_94 = arith.constant 0 : i32
      %dma_wait3A_95 = arith.constant 0 : i32
      %dma_wait3A_96 = tpu.memref_slice %arg4[%add3A, %dma_wait3A_94, %dma_wait3A_95] : memref<32x79x128xi32, #tpu.memory_space<hbm>> -> memref<1x79x128xi32, #tpu.memory_space<hbm>>
      %dma_wait3A_97 = tpu.memref_squeeze %dma_wait3A_96 : memref<1x79x128xi32, #tpu.memory_space<hbm>> -> memref<79x128xi32, #tpu.memory_space<hbm>>
      tpu.wait_dma2 semaphore(%run_scoped3A : memref<!tpu.dma_semaphore, #tpu.memory_space<semaphore_mem>>) src(%dma_wait3A_97 : memref<79x128xi32, #tpu.memory_space<hbm>>) dst(%arg7 : memref<79x128xi32, #tpu.memory_space<vmem>>)
      tpu.yield
    }) : () -> ()
    %scan3A = arith.constant 0 : i32
    %scan3A_1 = arith.constant 0 : i32
    %scan3A_2 = arith.constant 128 : i32
    %scan3A_3 = arith.addi %scan3A_1, %scan3A_2 : i32
    %scan3A_4 = arith.constant 1 : i32
    %scan3A_5 = scf.for %scan3A_82 = %scan3A_1 to %scan3A_3 step %scan3A_4 iter_args(%scan3A_83 = %scan3A) -> (i32)  : i32 {
      %broadcast_in_dim3A = arith.constant 0.000000e+00 : f32
      %broadcast_in_dim3A_84 = vector.broadcast %broadcast_in_dim3A : f32 to vector<16xf32>
      %swap3A = arith.index_cast %scan3A_82 : i32 to index
      %swap3A_85 = arith.constant 0 : index
      %swap3A_86 = tpu.vector_load %arg12[%swap3A, %swap3A_85] {strides = array<i32>} : memref<128x32xf32, #tpu.memory_space<vmem>>, vector<1x16xf32>,
      %swap3A_87 = vector.shape_cast %swap3A_86 : vector<1x16xf32> to vector<16xf32>
      %swap3A_88 = vector.shape_cast %broadcast_in_dim3A_84 : vector<16xf32> to vector<1x16xf32>
      tpu.vector_store %arg12[%swap3A, %swap3A_85], %swap3A_88 {strides = array<i32>} : memref<128x32xf32, #tpu.memory_space<vmem>>, vector<1x16xf32>,
      %swap3A_89 = arith.index_cast %scan3A_82 : i32 to index
      %swap3A_90 = arith.constant 16 : index
      %swap3A_91 = tpu.vector_load %arg12[%swap3A_89, %swap3A_90] {strides = array<i32>} : memref<128x32xf32, #tpu.memory_space<vmem>>, vector<1x16xf32>,
      %swap3A_92 = vector.shape_cast %swap3A_91 : vector<1x16xf32> to vector<16xf32>
      %swap3A_93 = vector.shape_cast %broadcast_in_dim3A_84 : vector<16xf32> to vector<1x16xf32>
      tpu.vector_store %arg12[%swap3A_89, %swap3A_90], %swap3A_93 {strides = array<i32>} : memref<128x32xf32, #tpu.memory_space<vmem>>, vector<1x16xf32>,
      %scan3A_94 = arith.constant 0 : i32
      scf.yield %scan3A_94 : i32
    }
    %scan3A_6 = arith.constant 128 : i32
    %add3A_7 = arith.constant 0 : i32
    %add3A_8 = arith.addi %arg1, %add3A_7 : i32
    %lt3A = arith.constant 79 : i32
    %lt3A_9 = arith.cmpi slt, %add3A_8, %lt3A : i32
    %convert_element_type3A = arith.extui %lt3A_9 : i1 to i32
    %cond3A = arith.constant 0 : i32
    %cond3A_10 = arith.cmpi ne, %convert_element_type3A, %cond3A : i32
    scf.if %cond3A_10 {
      %mul3A_82 = arith.constant 128 : i32
      %mul3A_83 = arith.muli %add3A_8, %mul3A_82 : i32
      "tpu.region"() ({
        %run_scoped3A = tpu.sem_alloc : memref<!tpu.dma_semaphore, #tpu.memory_space<semaphore_mem>>
        %dma_start3A_84 = arith.constant 0 : i32
        %dma_start3A_85 = tpu.memref_slice %arg13[%mul3A_83, %dma_start3A_84] : memref<10112x32xf32, #tpu.memory_space<vmem_shared>> -> memref<128x32xf32, #tpu.memory_space<vmem_shared>>
        %dma_start3A_86 = arith.constant 0 : i32
        %dma_start3A_87 = tpu.memref_slice %arg13[%mul3A_83, %dma_start3A_86] : memref<10112x32xf32, #tpu.memory_space<vmem_shared>> -> memref<128x32xf32, #tpu.memory_space<vmem_shared>>
        tpu.enqueue_dma source(%arg12 : memref<128x32xf32, #tpu.memory_space<vmem>>) target(%dma_start3A_87 : memref<128x32xf32, #tpu.memory_space<vmem_shared>>) target_semaphore(%run_scoped3A : memref<!tpu.dma_semaphore, #tpu.memory_space<semaphore_mem>>)
        %dma_wait3A_88 = arith.constant 0 : i32
        %dma_wait3A_89 = tpu.memref_slice %arg13[%mul3A_83, %dma_wait3A_88] : memref<10112x32xf32, #tpu.memory_space<vmem_shared>> -> memref<128x32xf32, #tpu.memory_space<vmem_shared>>
        %dma_wait3A_90 = arith.constant 0 : i32
        %dma_wait3A_91 = tpu.memref_slice %arg13[%mul3A_83, %dma_wait3A_90] : memref<10112x32xf32, #tpu.memory_space<vmem_shared>> -> memref<128x32xf32, #tpu.memory_space<vmem_shared>>
        tpu.wait_dma2 semaphore(%run_scoped3A : memref<!tpu.dma_semaphore, #tpu.memory_space<semaphore_mem>>) src(%arg12 : memref<128x32xf32, #tpu.memory_space<vmem>>) dst(%dma_wait3A_91 : memref<128x32xf32, #tpu.memory_space<vmem_shared>>)
        tpu.yield
      }) : () -> ()
    } else {
    }
    %add3A_11 = arith.constant 16 : i32
    %add3A_12 = arith.addi %arg1, %add3A_11 : i32
    %lt3A_13 = arith.constant 79 : i32
    %lt3A_14 = arith.cmpi slt, %add3A_12, %lt3A_13 : i32
    %convert_element_type3A_15 = arith.extui %lt3A_14 : i1 to i32
    %cond3A_16 = arith.constant 0 : i32
    %cond3A_17 = arith.cmpi ne, %convert_element_type3A_15, %cond3A_16 : i32
    scf.if %cond3A_17 {
      %mul3A_82 = arith.constant 128 : i32
      %mul3A_83 = arith.muli %add3A_12, %mul3A_82 : i32
      "tpu.region"() ({
        %run_scoped3A = tpu.sem_alloc : memref<!tpu.dma_semaphore, #tpu.memory_space<semaphore_mem>>
        %dma_start3A_84 = arith.constant 0 : i32
        %dma_start3A_85 = tpu.memref_slice %arg13[%mul3A_83, %dma_start3A_84] : memref<10112x32xf32, #tpu.memory_space<vmem_shared>> -> memref<128x32xf32, #tpu.memory_space<vmem_shared>>
        %dma_start3A_86 = arith.constant 0 : i32
        %dma_start3A_87 = tpu.memref_slice %arg13[%mul3A_83, %dma_start3A_86] : memref<10112x32xf32, #tpu.memory_space<vmem_shared>> -> memref<128x32xf32, #tpu.memory_space<vmem_shared>>
        tpu.enqueue_dma source(%arg12 : memref<128x32xf32, #tpu.memory_space<vmem>>) target(%dma_start3A_87 : memref<128x32xf32, #tpu.memory_space<vmem_shared>>) target_semaphore(%run_scoped3A : memref<!tpu.dma_semaphore, #tpu.memory_space<semaphore_mem>>)
        %dma_wait3A_88 = arith.constant 0 : i32
        %dma_wait3A_89 = tpu.memref_slice %arg13[%mul3A_83, %dma_wait3A_88] : memref<10112x32xf32, #tpu.memory_space<vmem_shared>> -> memref<128x32xf32, #tpu.memory_space<vmem_shared>>
        %dma_wait3A_90 = arith.constant 0 : i32
        %dma_wait3A_91 = tpu.memref_slice %arg13[%mul3A_83, %dma_wait3A_90] : memref<10112x32xf32, #tpu.memory_space<vmem_shared>> -> memref<128x32xf32, #tpu.memory_space<vmem_shared>>
        tpu.wait_dma2 semaphore(%run_scoped3A : memref<!tpu.dma_semaphore, #tpu.memory_space<semaphore_mem>>) src(%arg12 : memref<128x32xf32, #tpu.memory_space<vmem>>) dst(%dma_wait3A_91 : memref<128x32xf32, #tpu.memory_space<vmem_shared>>)
        tpu.yield
      }) : () -> ()
    } else {
    }
    %add3A_18 = arith.constant 32 : i32
    %add3A_19 = arith.addi %arg1, %add3A_18 : i32
    %lt3A_20 = arith.constant 79 : i32
    %lt3A_21 = arith.cmpi slt, %add3A_19, %lt3A_20 : i32
    %convert_element_type3A_22 = arith.extui %lt3A_21 : i1 to i32
    %cond3A_23 = arith.constant 0 : i32
    %cond3A_24 = arith.cmpi ne, %convert_element_type3A_22, %cond3A_23 : i32
    scf.if %cond3A_24 {
      %mul3A_82 = arith.constant 128 : i32
      %mul3A_83 = arith.muli %add3A_19, %mul3A_82 : i32
      "tpu.region"() ({
        %run_scoped3A = tpu.sem_alloc : memref<!tpu.dma_semaphore, #tpu.memory_space<semaphore_mem>>
        %dma_start3A_84 = arith.constant 0 : i32
        %dma_start3A_85 = tpu.memref_slice %arg13[%mul3A_83, %dma_start3A_84] : memref<10112x32xf32, #tpu.memory_space<vmem_shared>> -> memref<128x32xf32, #tpu.memory_space<vmem_shared>>
        %dma_start3A_86 = arith.constant 0 : i32
        %dma_start3A_87 = tpu.memref_slice %arg13[%mul3A_83, %dma_start3A_86] : memref<10112x32xf32, #tpu.memory_space<vmem_shared>> -> memref<128x32xf32, #tpu.memory_space<vmem_shared>>
        tpu.enqueue_dma source(%arg12 : memref<128x32xf32, #tpu.memory_space<vmem>>) target(%dma_start3A_87 : memref<128x32xf32, #tpu.memory_space<vmem_shared>>) target_semaphore(%run_scoped3A : memref<!tpu.dma_semaphore, #tpu.memory_space<semaphore_mem>>)
        %dma_wait3A_88 = arith.constant 0 : i32
        %dma_wait3A_89 = tpu.memref_slice %arg13[%mul3A_83, %dma_wait3A_88] : memref<10112x32xf32, #tpu.memory_space<vmem_shared>> -> memref<128x32xf32, #tpu.memory_space<vmem_shared>>
        %dma_wait3A_90 = arith.constant 0 : i32
        %dma_wait3A_91 = tpu.memref_slice %arg13[%mul3A_83, %dma_wait3A_90] : memref<10112x32xf32, #tpu.memory_space<vmem_shared>> -> memref<128x32xf32, #tpu.memory_space<vmem_shared>>
        tpu.wait_dma2 semaphore(%run_scoped3A : memref<!tpu.dma_semaphore, #tpu.memory_space<semaphore_mem>>) src(%arg12 : memref<128x32xf32, #tpu.memory_space<vmem>>) dst(%dma_wait3A_91 : memref<128x32xf32, #tpu.memory_space<vmem_shared>>)
        tpu.yield
      }) : () -> ()
    } else {
    }
    %add3A_25 = arith.constant 48 : i32
    %add3A_26 = arith.addi %arg1, %add3A_25 : i32
    %lt3A_27 = arith.constant 79 : i32
    %lt3A_28 = arith.cmpi slt, %add3A_26, %lt3A_27 : i32
    %convert_element_type3A_29 = arith.extui %lt3A_28 : i1 to i32
    %cond3A_30 = arith.constant 0 : i32
    %cond3A_31 = arith.cmpi ne, %convert_element_type3A_29, %cond3A_30 : i32
    scf.if %cond3A_31 {
      %mul3A_82 = arith.constant 128 : i32
      %mul3A_83 = arith.muli %add3A_26, %mul3A_82 : i32
      "tpu.region"() ({
        %run_scoped3A = tpu.sem_alloc : memref<!tpu.dma_semaphore, #tpu.memory_space<semaphore_mem>>
        %dma_start3A_84 = arith.constant 0 : i32
        %dma_start3A_85 = tpu.memref_slice %arg13[%mul3A_83, %dma_start3A_84] : memref<10112x32xf32, #tpu.memory_space<vmem_shared>> -> memref<128x32xf32, #tpu.memory_space<vmem_shared>>
        %dma_start3A_86 = arith.constant 0 : i32
        %dma_start3A_87 = tpu.memref_slice %arg13[%mul3A_83, %dma_start3A_86] : memref<10112x32xf32, #tpu.memory_space<vmem_shared>> -> memref<128x32xf32, #tpu.memory_space<vmem_shared>>
        tpu.enqueue_dma source(%arg12 : memref<128x32xf32, #tpu.memory_space<vmem>>) target(%dma_start3A_87 : memref<128x32xf32, #tpu.memory_space<vmem_shared>>) target_semaphore(%run_scoped3A : memref<!tpu.dma_semaphore, #tpu.memory_space<semaphore_mem>>)
        %dma_wait3A_88 = arith.constant 0 : i32
        %dma_wait3A_89 = tpu.memref_slice %arg13[%mul3A_83, %dma_wait3A_88] : memref<10112x32xf32, #tpu.memory_space<vmem_shared>> -> memref<128x32xf32, #tpu.memory_space<vmem_shared>>
        %dma_wait3A_90 = arith.constant 0 : i32
        %dma_wait3A_91 = tpu.memref_slice %arg13[%mul3A_83, %dma_wait3A_90] : memref<10112x32xf32, #tpu.memory_space<vmem_shared>> -> memref<128x32xf32, #tpu.memory_space<vmem_shared>>
        tpu.wait_dma2 semaphore(%run_scoped3A : memref<!tpu.dma_semaphore, #tpu.memory_space<semaphore_mem>>) src(%arg12 : memref<128x32xf32, #tpu.memory_space<vmem>>) dst(%dma_wait3A_91 : memref<128x32xf32, #tpu.memory_space<vmem_shared>>)
        tpu.yield
      }) : () -> ()
    } else {
    }
    %add3A_32 = arith.constant 64 : i32
    %add3A_33 = arith.addi %arg1, %add3A_32 : i32
    %lt3A_34 = arith.constant 79 : i32
    %lt3A_35 = arith.cmpi slt, %add3A_33, %lt3A_34 : i32
    %convert_element_type3A_36 = arith.extui %lt3A_35 : i1 to i32
    %cond3A_37 = arith.constant 0 : i32
    %cond3A_38 = arith.cmpi ne, %convert_element_type3A_36, %cond3A_37 : i32
    scf.if %cond3A_38 {
      %mul3A_82 = arith.constant 128 : i32
      %mul3A_83 = arith.muli %add3A_33, %mul3A_82 : i32
      "tpu.region"() ({
        %run_scoped3A = tpu.sem_alloc : memref<!tpu.dma_semaphore, #tpu.memory_space<semaphore_mem>>
        %dma_start3A_84 = arith.constant 0 : i32
        %dma_start3A_85 = tpu.memref_slice %arg13[%mul3A_83, %dma_start3A_84] : memref<10112x32xf32, #tpu.memory_space<vmem_shared>> -> memref<128x32xf32, #tpu.memory_space<vmem_shared>>
        %dma_start3A_86 = arith.constant 0 : i32
        %dma_start3A_87 = tpu.memref_slice %arg13[%mul3A_83, %dma_start3A_86] : memref<10112x32xf32, #tpu.memory_space<vmem_shared>> -> memref<128x32xf32, #tpu.memory_space<vmem_shared>>
        tpu.enqueue_dma source(%arg12 : memref<128x32xf32, #tpu.memory_space<vmem>>) target(%dma_start3A_87 : memref<128x32xf32, #tpu.memory_space<vmem_shared>>) target_semaphore(%run_scoped3A : memref<!tpu.dma_semaphore, #tpu.memory_space<semaphore_mem>>)
        %dma_wait3A_88 = arith.constant 0 : i32
        %dma_wait3A_89 = tpu.memref_slice %arg13[%mul3A_83, %dma_wait3A_88] : memref<10112x32xf32, #tpu.memory_space<vmem_shared>> -> memref<128x32xf32, #tpu.memory_space<vmem_shared>>
        %dma_wait3A_90 = arith.constant 0 : i32
        %dma_wait3A_91 = tpu.memref_slice %arg13[%mul3A_83, %dma_wait3A_90] : memref<10112x32xf32, #tpu.memory_space<vmem_shared>> -> memref<128x32xf32, #tpu.memory_space<vmem_shared>>
        tpu.wait_dma2 semaphore(%run_scoped3A : memref<!tpu.dma_semaphore, #tpu.memory_space<semaphore_mem>>) src(%arg12 : memref<128x32xf32, #tpu.memory_space<vmem>>) dst(%dma_wait3A_91 : memref<128x32xf32, #tpu.memory_space<vmem_shared>>)
        tpu.yield
      }) : () -> ()
    } else {
    }
    %barrier3A = arith.constant 0 : index
    tpu.barrier barrier_id(%barrier3A)
    %dma_start3A = arith.constant 0 : i32
    %dma_start3A_39 = arith.constant 0 : i32
    %dma_start3A_40 = tpu.memref_slice %arg6[%dma_start3A, %dma_start3A_39] : memref<79x128xi32, #tpu.memory_space<vmem>> -> memref<1x128xi32, #tpu.memory_space<vmem>>
    %dma_start3A_41 = tpu.memref_squeeze %dma_start3A_40 : memref<1x128xi32, #tpu.memory_space<vmem>> -> memref<128xi32, #tpu.memory_space<vmem>>
    %dma_start3A_42 = arith.constant 0 : i32
    %dma_start3A_43 = arith.constant 0 : i32
    %dma_start3A_44 = tpu.memref_slice %arg2[%dma_start3A_42, %dma_start3A_43] : memref<10016x32xf32, #tpu.memory_space<hbm>> -> memref<10016x32xf32, #tpu.memory_space<hbm>>
    tpu.enqueue_indirect_dma source(%dma_start3A_44 : memref<10016x32xf32, #tpu.memory_space<hbm>>) target(%arg8 : memref<128x32xf32, #tpu.memory_space<vmem>>) offsets(%dma_start3A_41 : memref<128xi32, #tpu.memory_space<vmem>>) semaphore(%arg14 : memref<!tpu.dma_semaphore, #tpu.memory_space<semaphore_mem>>)
    %scan3A_45 = arith.constant 0 : i32
    %scan3A_46 = arith.constant 0 : i32
    %scan3A_47 = arith.constant 20 : i32
    %scan3A_48 = arith.addi %scan3A_46, %scan3A_47 : i32
    %scan3A_49 = arith.constant 1 : i32
    %scan3A_50 = scf.for %scan3A_82 = %scan3A_46 to %scan3A_48 step %scan3A_49 iter_args(%scan3A_83 = %scan3A_45) -> (i32)  : i32 {
      %mul3A_84 = arith.constant 4 : i32
      %mul3A_85 = arith.muli %mul3A_84, %scan3A_82 : i32
      %add3A_86 = arith.constant 0 : i32
      %add3A_87 = arith.addi %mul3A_85, %add3A_86 : i32
      %add3A_88 = arith.constant 1 : i32
      %add3A_89 = arith.addi %add3A_87, %add3A_88 : i32
      %lt3A_90 = arith.constant 79 : i32
      %lt3A_91 = arith.cmpi slt, %add3A_89, %lt3A_90 : i32
      %convert_element_type3A_92 = arith.extui %lt3A_91 : i1 to i32
      %cond3A_93 = arith.constant 0 : i32
      %cond3A_94 = arith.cmpi ne, %convert_element_type3A_92, %cond3A_93 : i32
      scf.if %cond3A_94 {
        %sub3A = arith.constant 3 : i32
        %sub3A_149 = arith.subi %add3A_87, %sub3A : i32
        %ge3A = arith.constant 0 : i32
        %ge3A_150 = arith.cmpi sge, %sub3A_149, %ge3A : i32
        %convert_element_type3A_151 = arith.extui %ge3A_150 : i1 to i32
        %cond3A_152 = arith.constant 0 : i32
        %cond3A_153 = arith.cmpi ne, %convert_element_type3A_151, %cond3A_152 : i32
        scf.if %cond3A_153 {
          %dma_wait3A_160 = arith.constant 0 : i32
          %dma_wait3A_161 = arith.constant 0 : i32
          %dma_wait3A_162 = tpu.memref_slice %arg7[%dma_wait3A_160, %dma_wait3A_161] : memref<79x128xi32, #tpu.memory_space<vmem>> -> memref<1x128xi32, #tpu.memory_space<vmem>>
          %dma_wait3A_163 = tpu.memref_squeeze %dma_wait3A_162 : memref<1x128xi32, #tpu.memory_space<vmem>> -> memref<128xi32, #tpu.memory_space<vmem>>
          %dma_wait3A_164 = arith.constant 0 : i32
          %dma_wait3A_165 = arith.constant 0 : i32
          %dma_wait3A_166 = tpu.memref_slice %arg13[%dma_wait3A_164, %dma_wait3A_165] : memref<10112x32xf32, #tpu.memory_space<vmem_shared>> -> memref<10112x32xf32, #tpu.memory_space<vmem_shared>>
          tpu.wait_indirect_dma semaphore(%arg19 : memref<!tpu.dma_semaphore, #tpu.memory_space<semaphore_mem>>) src(%arg9 : memref<128x32xf32, #tpu.memory_space<vmem>>) dst(%dma_wait3A_166 : memref<10112x32xf32, #tpu.memory_space<vmem_shared>>)
        } else {
        }
        %dma_start3A_154 = arith.constant 0 : i32
        %dma_start3A_155 = tpu.memref_slice %arg6[%add3A_89, %dma_start3A_154] : memref<79x128xi32, #tpu.memory_space<vmem>> -> memref<1x128xi32, #tpu.memory_space<vmem>>
        %dma_start3A_156 = tpu.memref_squeeze %dma_start3A_155 : memref<1x128xi32, #tpu.memory_space<vmem>> -> memref<128xi32, #tpu.memory_space<vmem>>
        %dma_start3A_157 = arith.constant 0 : i32
        %dma_start3A_158 = arith.constant 0 : i32
        %dma_start3A_159 = tpu.memref_slice %arg2[%dma_start3A_157, %dma_start3A_158] : memref<10016x32xf32, #tpu.memory_space<hbm>> -> memref<10016x32xf32, #tpu.memory_space<hbm>>
        tpu.enqueue_indirect_dma source(%dma_start3A_159 : memref<10016x32xf32, #tpu.memory_space<hbm>>) target(%arg9 : memref<128x32xf32, #tpu.memory_space<vmem>>) offsets(%dma_start3A_156 : memref<128xi32, #tpu.memory_space<vmem>>) semaphore(%arg15 : memref<!tpu.dma_semaphore, #tpu.memory_space<semaphore_mem>>)
      } else {
      }
      %lt3A_95 = arith.constant 79 : i32
      %lt3A_96 = arith.cmpi slt, %add3A_87, %lt3A_95 : i32
      %convert_element_type3A_97 = arith.extui %lt3A_96 : i1 to i32
      %cond3A_98 = arith.constant 0 : i32
      %cond3A_99 = arith.cmpi ne, %convert_element_type3A_97, %cond3A_98 : i32
      scf.if %cond3A_99 {
        %dma_wait3A_149 = arith.constant 0 : i32
        %dma_wait3A_150 = tpu.memref_slice %arg6[%add3A_87, %dma_wait3A_149] : memref<79x128xi32, #tpu.memory_space<vmem>> -> memref<1x128xi32, #tpu.memory_space<vmem>>
        %dma_wait3A_151 = tpu.memref_squeeze %dma_wait3A_150 : memref<1x128xi32, #tpu.memory_space<vmem>> -> memref<128xi32, #tpu.memory_space<vmem>>
        %dma_wait3A_152 = arith.constant 0 : i32
        %dma_wait3A_153 = arith.constant 0 : i32
        %dma_wait3A_154 = tpu.memref_slice %arg2[%dma_wait3A_152, %dma_wait3A_153] : memref<10016x32xf32, #tpu.memory_space<hbm>> -> memref<10016x32xf32, #tpu.memory_space<hbm>>
        tpu.wait_indirect_dma semaphore(%arg14 : memref<!tpu.dma_semaphore, #tpu.memory_space<semaphore_mem>>) src(%dma_wait3A_154 : memref<10016x32xf32, #tpu.memory_space<hbm>>) dst(%arg8 : memref<128x32xf32, #tpu.memory_space<vmem>>)
        %dma_start3A_155 = arith.constant 0 : i32
        %dma_start3A_156 = tpu.memref_slice %arg7[%add3A_87, %dma_start3A_155] : memref<79x128xi32, #tpu.memory_space<vmem>> -> memref<1x128xi32, #tpu.memory_space<vmem>>
        %dma_start3A_157 = tpu.memref_squeeze %dma_start3A_156 : memref<1x128xi32, #tpu.memory_space<vmem>> -> memref<128xi32, #tpu.memory_space<vmem>>
        %dma_start3A_158 = arith.constant 0 : i32
        %dma_start3A_159 = arith.constant 0 : i32
        %dma_start3A_160 = tpu.memref_slice %arg13[%dma_start3A_158, %dma_start3A_159] : memref<10112x32xf32, #tpu.memory_space<vmem_shared>> -> memref<10112x32xf32, #tpu.memory_space<vmem_shared>>
        tpu.enqueue_indirect_dma source(%arg8 : memref<128x32xf32, #tpu.memory_space<vmem>>) target(%dma_start3A_160 : memref<10112x32xf32, #tpu.memory_space<vmem_shared>>) offsets(%dma_start3A_157 : memref<128xi32, #tpu.memory_space<vmem>>) semaphore(%arg18 : memref<!tpu.dma_semaphore, #tpu.memory_space<semaphore_mem>>) {add = true}
      } else {
      }
      %mul3A_100 = arith.constant 4 : i32
      %mul3A_101 = arith.muli %mul3A_100, %scan3A_82 : i32
      %add3A_102 = arith.constant 1 : i32
      %add3A_103 = arith.addi %mul3A_101, %add3A_102 : i32
      %add3A_104 = arith.constant 1 : i32
      %add3A_105 = arith.addi %add3A_103, %add3A_104 : i32
      %lt3A_106 = arith.constant 79 : i32
      %lt3A_107 = arith.cmpi slt, %add3A_105, %lt3A_106 : i32
      %convert_element_type3A_108 = arith.extui %lt3A_107 : i1 to i32
      %cond3A_109 = arith.constant 0 : i32
      %cond3A_110 = arith.cmpi ne, %convert_element_type3A_108, %cond3A_109 : i32
      scf.if %cond3A_110 {
        %sub3A = arith.constant 3 : i32
        %sub3A_149 = arith.subi %add3A_103, %sub3A : i32
        %ge3A = arith.constant 0 : i32
        %ge3A_150 = arith.cmpi sge, %sub3A_149, %ge3A : i32
        %convert_element_type3A_151 = arith.extui %ge3A_150 : i1 to i32
        %cond3A_152 = arith.constant 0 : i32
        %cond3A_153 = arith.cmpi ne, %convert_element_type3A_151, %cond3A_152 : i32
        scf.if %cond3A_153 {
          %dma_wait3A_160 = arith.constant 0 : i32
          %dma_wait3A_161 = arith.constant 0 : i32
          %dma_wait3A_162 = tpu.memref_slice %arg7[%dma_wait3A_160, %dma_wait3A_161] : memref<79x128xi32, #tpu.memory_space<vmem>> -> memref<1x128xi32, #tpu.memory_space<vmem>>
          %dma_wait3A_163 = tpu.memref_squeeze %dma_wait3A_162 : memref<1x128xi32, #tpu.memory_space<vmem>> -> memref<128xi32, #tpu.memory_space<vmem>>
          %dma_wait3A_164 = arith.constant 0 : i32
          %dma_wait3A_165 = arith.constant 0 : i32
          %dma_wait3A_166 = tpu.memref_slice %arg13[%dma_wait3A_164, %dma_wait3A_165] : memref<10112x32xf32, #tpu.memory_space<vmem_shared>> -> memref<10112x32xf32, #tpu.memory_space<vmem_shared>>
          tpu.wait_indirect_dma semaphore(%arg20 : memref<!tpu.dma_semaphore, #tpu.memory_space<semaphore_mem>>) src(%arg10 : memref<128x32xf32, #tpu.memory_space<vmem>>) dst(%dma_wait3A_166 : memref<10112x32xf32, #tpu.memory_space<vmem_shared>>)
        } else {
        }
        %dma_start3A_154 = arith.constant 0 : i32
        %dma_start3A_155 = tpu.memref_slice %arg6[%add3A_105, %dma_start3A_154] : memref<79x128xi32, #tpu.memory_space<vmem>> -> memref<1x128xi32, #tpu.memory_space<vmem>>
        %dma_start3A_156 = tpu.memref_squeeze %dma_start3A_155 : memref<1x128xi32, #tpu.memory_space<vmem>> -> memref<128xi32, #tpu.memory_space<vmem>>
        %dma_start3A_157 = arith.constant 0 : i32
        %dma_start3A_158 = arith.constant 0 : i32
        %dma_start3A_159 = tpu.memref_slice %arg2[%dma_start3A_157, %dma_start3A_158] : memref<10016x32xf32, #tpu.memory_space<hbm>> -> memref<10016x32xf32, #tpu.memory_space<hbm>>
        tpu.enqueue_indirect_dma source(%dma_start3A_159 : memref<10016x32xf32, #tpu.memory_space<hbm>>) target(%arg10 : memref<128x32xf32, #tpu.memory_space<vmem>>) offsets(%dma_start3A_156 : memref<128xi32, #tpu.memory_space<vmem>>) semaphore(%arg16 : memref<!tpu.dma_semaphore, #tpu.memory_space<semaphore_mem>>)
      } else {
      }
      %lt3A_111 = arith.constant 79 : i32
      %lt3A_112 = arith.cmpi slt, %add3A_103, %lt3A_111 : i32
      %convert_element_type3A_113 = arith.extui %lt3A_112 : i1 to i32
      %cond3A_114 = arith.constant 0 : i32
      %cond3A_115 = arith.cmpi ne, %convert_element_type3A_113, %cond3A_114 : i32
      scf.if %cond3A_115 {
        %dma_wait3A_149 = arith.constant 0 : i32
        %dma_wait3A_150 = tpu.memref_slice %arg6[%add3A_103, %dma_wait3A_149] : memref<79x128xi32, #tpu.memory_space<vmem>> -> memref<1x128xi32, #tpu.memory_space<vmem>>
        %dma_wait3A_151 = tpu.memref_squeeze %dma_wait3A_150 : memref<1x128xi32, #tpu.memory_space<vmem>> -> memref<128xi32, #tpu.memory_space<vmem>>
        %dma_wait3A_152 = arith.constant 0 : i32
        %dma_wait3A_153 = arith.constant 0 : i32
        %dma_wait3A_154 = tpu.memref_slice %arg2[%dma_wait3A_152, %dma_wait3A_153] : memref<10016x32xf32, #tpu.memory_space<hbm>> -> memref<10016x32xf32, #tpu.memory_space<hbm>>
        tpu.wait_indirect_dma semaphore(%arg15 : memref<!tpu.dma_semaphore, #tpu.memory_space<semaphore_mem>>) src(%dma_wait3A_154 : memref<10016x32xf32, #tpu.memory_space<hbm>>) dst(%arg9 : memref<128x32xf32, #tpu.memory_space<vmem>>)
        %dma_start3A_155 = arith.constant 0 : i32
        %dma_start3A_156 = tpu.memref_slice %arg7[%add3A_103, %dma_start3A_155] : memref<79x128xi32, #tpu.memory_space<vmem>> -> memref<1x128xi32, #tpu.memory_space<vmem>>
        %dma_start3A_157 = tpu.memref_squeeze %dma_start3A_156 : memref<1x128xi32, #tpu.memory_space<vmem>> -> memref<128xi32, #tpu.memory_space<vmem>>
        %dma_start3A_158 = arith.constant 0 : i32
        %dma_start3A_159 = arith.constant 0 : i32
        %dma_start3A_160 = tpu.memref_slice %arg13[%dma_start3A_158, %dma_start3A_159] : memref<10112x32xf32, #tpu.memory_space<vmem_shared>> -> memref<10112x32xf32, #tpu.memory_space<vmem_shared>>
        tpu.enqueue_indirect_dma source(%arg9 : memref<128x32xf32, #tpu.memory_space<vmem>>) target(%dma_start3A_160 : memref<10112x32xf32, #tpu.memory_space<vmem_shared>>) offsets(%dma_start3A_157 : memref<128xi32, #tpu.memory_space<vmem>>) semaphore(%arg19 : memref<!tpu.dma_semaphore, #tpu.memory_space<semaphore_mem>>) {add = true}
      } else {
      }
      %mul3A_116 = arith.constant 4 : i32
      %mul3A_117 = arith.muli %mul3A_116, %scan3A_82 : i32
      %add3A_118 = arith.constant 2 : i32
      %add3A_119 = arith.addi %mul3A_117, %add3A_118 : i32
      %add3A_120 = arith.constant 1 : i32
      %add3A_121 = arith.addi %add3A_119, %add3A_120 : i32
      %lt3A_122 = arith.constant 79 : i32
      %lt3A_123 = arith.cmpi slt, %add3A_121, %lt3A_122 : i32
      %convert_element_type3A_124 = arith.extui %lt3A_123 : i1 to i32
      %cond3A_125 = arith.constant 0 : i32
      %cond3A_126 = arith.cmpi ne, %convert_element_type3A_124, %cond3A_125 : i32
      scf.if %cond3A_126 {
        %sub3A = arith.constant 3 : i32
        %sub3A_149 = arith.subi %add3A_119, %sub3A : i32
        %ge3A = arith.constant 0 : i32
        %ge3A_150 = arith.cmpi sge, %sub3A_149, %ge3A : i32
        %convert_element_type3A_151 = arith.extui %ge3A_150 : i1 to i32
        %cond3A_152 = arith.constant 0 : i32
        %cond3A_153 = arith.cmpi ne, %convert_element_type3A_151, %cond3A_152 : i32
        scf.if %cond3A_153 {
          %dma_wait3A_160 = arith.constant 0 : i32
          %dma_wait3A_161 = arith.constant 0 : i32
          %dma_wait3A_162 = tpu.memref_slice %arg7[%dma_wait3A_160, %dma_wait3A_161] : memref<79x128xi32, #tpu.memory_space<vmem>> -> memref<1x128xi32, #tpu.memory_space<vmem>>
          %dma_wait3A_163 = tpu.memref_squeeze %dma_wait3A_162 : memref<1x128xi32, #tpu.memory_space<vmem>> -> memref<128xi32, #tpu.memory_space<vmem>>
          %dma_wait3A_164 = arith.constant 0 : i32
          %dma_wait3A_165 = arith.constant 0 : i32
          %dma_wait3A_166 = tpu.memref_slice %arg13[%dma_wait3A_164, %dma_wait3A_165] : memref<10112x32xf32, #tpu.memory_space<vmem_shared>> -> memref<10112x32xf32, #tpu.memory_space<vmem_shared>>
          tpu.wait_indirect_dma semaphore(%arg21 : memref<!tpu.dma_semaphore, #tpu.memory_space<semaphore_mem>>) src(%arg11 : memref<128x32xf32, #tpu.memory_space<vmem>>) dst(%dma_wait3A_166 : memref<10112x32xf32, #tpu.memory_space<vmem_shared>>)
        } else {
        }
        %dma_start3A_154 = arith.constant 0 : i32
        %dma_start3A_155 = tpu.memref_slice %arg6[%add3A_121, %dma_start3A_154] : memref<79x128xi32, #tpu.memory_space<vmem>> -> memref<1x128xi32, #tpu.memory_space<vmem>>
        %dma_start3A_156 = tpu.memref_squeeze %dma_start3A_155 : memref<1x128xi32, #tpu.memory_space<vmem>> -> memref<128xi32, #tpu.memory_space<vmem>>
        %dma_start3A_157 = arith.constant 0 : i32
        %dma_start3A_158 = arith.constant 0 : i32
        %dma_start3A_159 = tpu.memref_slice %arg2[%dma_start3A_157, %dma_start3A_158] : memref<10016x32xf32, #tpu.memory_space<hbm>> -> memref<10016x32xf32, #tpu.memory_space<hbm>>
        tpu.enqueue_indirect_dma source(%dma_start3A_159 : memref<10016x32xf32, #tpu.memory_space<hbm>>) target(%arg11 : memref<128x32xf32, #tpu.memory_space<vmem>>) offsets(%dma_start3A_156 : memref<128xi32, #tpu.memory_space<vmem>>) semaphore(%arg17 : memref<!tpu.dma_semaphore, #tpu.memory_space<semaphore_mem>>)
      } else {
      }
      %lt3A_127 = arith.constant 79 : i32
      %lt3A_128 = arith.cmpi slt, %add3A_119, %lt3A_127 : i32
      %convert_element_type3A_129 = arith.extui %lt3A_128 : i1 to i32
      %cond3A_130 = arith.constant 0 : i32
      %cond3A_131 = arith.cmpi ne, %convert_element_type3A_129, %cond3A_130 : i32
      scf.if %cond3A_131 {
        %dma_wait3A_149 = arith.constant 0 : i32
        %dma_wait3A_150 = tpu.memref_slice %arg6[%add3A_119, %dma_wait3A_149] : memref<79x128xi32, #tpu.memory_space<vmem>> -> memref<1x128xi32, #tpu.memory_space<vmem>>
        %dma_wait3A_151 = tpu.memref_squeeze %dma_wait3A_150 : memref<1x128xi32, #tpu.memory_space<vmem>> -> memref<128xi32, #tpu.memory_space<vmem>>
        %dma_wait3A_152 = arith.constant 0 : i32
        %dma_wait3A_153 = arith.constant 0 : i32
        %dma_wait3A_154 = tpu.memref_slice %arg2[%dma_wait3A_152, %dma_wait3A_153] : memref<10016x32xf32, #tpu.memory_space<hbm>> -> memref<10016x32xf32, #tpu.memory_space<hbm>>
        tpu.wait_indirect_dma semaphore(%arg16 : memref<!tpu.dma_semaphore, #tpu.memory_space<semaphore_mem>>) src(%dma_wait3A_154 : memref<10016x32xf32, #tpu.memory_space<hbm>>) dst(%arg10 : memref<128x32xf32, #tpu.memory_space<vmem>>)
        %dma_start3A_155 = arith.constant 0 : i32
        %dma_start3A_156 = tpu.memref_slice %arg7[%add3A_119, %dma_start3A_155] : memref<79x128xi32, #tpu.memory_space<vmem>> -> memref<1x128xi32, #tpu.memory_space<vmem>>
        %dma_start3A_157 = tpu.memref_squeeze %dma_start3A_156 : memref<1x128xi32, #tpu.memory_space<vmem>> -> memref<128xi32, #tpu.memory_space<vmem>>
        %dma_start3A_158 = arith.constant 0 : i32
        %dma_start3A_159 = arith.constant 0 : i32
        %dma_start3A_160 = tpu.memref_slice %arg13[%dma_start3A_158, %dma_start3A_159] : memref<10112x32xf32, #tpu.memory_space<vmem_shared>> -> memref<10112x32xf32, #tpu.memory_space<vmem_shared>>
        tpu.enqueue_indirect_dma source(%arg10 : memref<128x32xf32, #tpu.memory_space<vmem>>) target(%dma_start3A_160 : memref<10112x32xf32, #tpu.memory_space<vmem_shared>>) offsets(%dma_start3A_157 : memref<128xi32, #tpu.memory_space<vmem>>) semaphore(%arg20 : memref<!tpu.dma_semaphore, #tpu.memory_space<semaphore_mem>>) {add = true}
      } else {
      }
      %mul3A_132 = arith.constant 4 : i32
      %mul3A_133 = arith.muli %mul3A_132, %scan3A_82 : i32
      %add3A_134 = arith.constant 3 : i32
      %add3A_135 = arith.addi %mul3A_133, %add3A_134 : i32
      %add3A_136 = arith.constant 1 : i32
      %add3A_137 = arith.addi %add3A_135, %add3A_136 : i32
      %lt3A_138 = arith.constant 79 : i32
      %lt3A_139 = arith.cmpi slt, %add3A_137, %lt3A_138 : i32
      %convert_element_type3A_140 = arith.extui %lt3A_139 : i1 to i32
      %cond3A_141 = arith.constant 0 : i32
      %cond3A_142 = arith.cmpi ne, %convert_element_type3A_140, %cond3A_141 : i32
      scf.if %cond3A_142 {
        %sub3A = arith.constant 3 : i32
        %sub3A_149 = arith.subi %add3A_135, %sub3A : i32
        %ge3A = arith.constant 0 : i32
        %ge3A_150 = arith.cmpi sge, %sub3A_149, %ge3A : i32
        %convert_element_type3A_151 = arith.extui %ge3A_150 : i1 to i32
        %cond3A_152 = arith.constant 0 : i32
        %cond3A_153 = arith.cmpi ne, %convert_element_type3A_151, %cond3A_152 : i32
        scf.if %cond3A_153 {
          %dma_wait3A_160 = arith.constant 0 : i32
          %dma_wait3A_161 = arith.constant 0 : i32
          %dma_wait3A_162 = tpu.memref_slice %arg7[%dma_wait3A_160, %dma_wait3A_161] : memref<79x128xi32, #tpu.memory_space<vmem>> -> memref<1x128xi32, #tpu.memory_space<vmem>>
          %dma_wait3A_163 = tpu.memref_squeeze %dma_wait3A_162 : memref<1x128xi32, #tpu.memory_space<vmem>> -> memref<128xi32, #tpu.memory_space<vmem>>
          %dma_wait3A_164 = arith.constant 0 : i32
          %dma_wait3A_165 = arith.constant 0 : i32
          %dma_wait3A_166 = tpu.memref_slice %arg13[%dma_wait3A_164, %dma_wait3A_165] : memref<10112x32xf32, #tpu.memory_space<vmem_shared>> -> memref<10112x32xf32, #tpu.memory_space<vmem_shared>>
          tpu.wait_indirect_dma semaphore(%arg18 : memref<!tpu.dma_semaphore, #tpu.memory_space<semaphore_mem>>) src(%arg8 : memref<128x32xf32, #tpu.memory_space<vmem>>) dst(%dma_wait3A_166 : memref<10112x32xf32, #tpu.memory_space<vmem_shared>>)
        } else {
        }
        %dma_start3A_154 = arith.constant 0 : i32
        %dma_start3A_155 = tpu.memref_slice %arg6[%add3A_137, %dma_start3A_154] : memref<79x128xi32, #tpu.memory_space<vmem>> -> memref<1x128xi32, #tpu.memory_space<vmem>>
        %dma_start3A_156 = tpu.memref_squeeze %dma_start3A_155 : memref<1x128xi32, #tpu.memory_space<vmem>> -> memref<128xi32, #tpu.memory_space<vmem>>
        %dma_start3A_157 = arith.constant 0 : i32
        %dma_start3A_158 = arith.constant 0 : i32
        %dma_start3A_159 = tpu.memref_slice %arg2[%dma_start3A_157, %dma_start3A_158] : memref<10016x32xf32, #tpu.memory_space<hbm>> -> memref<10016x32xf32, #tpu.memory_space<hbm>>
        tpu.enqueue_indirect_dma source(%dma_start3A_159 : memref<10016x32xf32, #tpu.memory_space<hbm>>) target(%arg8 : memref<128x32xf32, #tpu.memory_space<vmem>>) offsets(%dma_start3A_156 : memref<128xi32, #tpu.memory_space<vmem>>) semaphore(%arg14 : memref<!tpu.dma_semaphore, #tpu.memory_space<semaphore_mem>>)
      } else {
      }
      %lt3A_143 = arith.constant 79 : i32
      %lt3A_144 = arith.cmpi slt, %add3A_135, %lt3A_143 : i32
      %convert_element_type3A_145 = arith.extui %lt3A_144 : i1 to i32
      %cond3A_146 = arith.constant 0 : i32
      %cond3A_147 = arith.cmpi ne, %convert_element_type3A_145, %cond3A_146 : i32
      scf.if %cond3A_147 {
        %dma_wait3A_149 = arith.constant 0 : i32
        %dma_wait3A_150 = tpu.memref_slice %arg6[%add3A_135, %dma_wait3A_149] : memref<79x128xi32, #tpu.memory_space<vmem>> -> memref<1x128xi32, #tpu.memory_space<vmem>>
        %dma_wait3A_151 = tpu.memref_squeeze %dma_wait3A_150 : memref<1x128xi32, #tpu.memory_space<vmem>> -> memref<128xi32, #tpu.memory_space<vmem>>
        %dma_wait3A_152 = arith.constant 0 : i32
        %dma_wait3A_153 = arith.constant 0 : i32
        %dma_wait3A_154 = tpu.memref_slice %arg2[%dma_wait3A_152, %dma_wait3A_153] : memref<10016x32xf32, #tpu.memory_space<hbm>> -> memref<10016x32xf32, #tpu.memory_space<hbm>>
        tpu.wait_indirect_dma semaphore(%arg17 : memref<!tpu.dma_semaphore, #tpu.memory_space<semaphore_mem>>) src(%dma_wait3A_154 : memref<10016x32xf32, #tpu.memory_space<hbm>>) dst(%arg11 : memref<128x32xf32, #tpu.memory_space<vmem>>)
        %dma_start3A_155 = arith.constant 0 : i32
        %dma_start3A_156 = tpu.memref_slice %arg7[%add3A_135, %dma_start3A_155] : memref<79x128xi32, #tpu.memory_space<vmem>> -> memref<1x128xi32, #tpu.memory_space<vmem>>
        %dma_start3A_157 = tpu.memref_squeeze %dma_start3A_156 : memref<1x128xi32, #tpu.memory_space<vmem>> -> memref<128xi32, #tpu.memory_space<vmem>>
        %dma_start3A_158 = arith.constant 0 : i32
        %dma_start3A_159 = arith.constant 0 : i32
        %dma_start3A_160 = tpu.memref_slice %arg13[%dma_start3A_158, %dma_start3A_159] : memref<10112x32xf32, #tpu.memory_space<vmem_shared>> -> memref<10112x32xf32, #tpu.memory_space<vmem_shared>>
        tpu.enqueue_indirect_dma source(%arg11 : memref<128x32xf32, #tpu.memory_space<vmem>>) target(%dma_start3A_160 : memref<10112x32xf32, #tpu.memory_space<vmem_shared>>) offsets(%dma_start3A_157 : memref<128xi32, #tpu.memory_space<vmem>>) semaphore(%arg21 : memref<!tpu.dma_semaphore, #tpu.memory_space<semaphore_mem>>) {add = true}
      } else {
      }
      %scan3A_148 = arith.constant 0 : i32
      scf.yield %scan3A_148 : i32
    }
    %scan3A_51 = arith.constant 20 : i32
    %dma_wait3A = arith.constant 0 : i32
    %dma_wait3A_52 = arith.constant 0 : i32
    %dma_wait3A_53 = tpu.memref_slice %arg7[%dma_wait3A, %dma_wait3A_52] : memref<79x128xi32, #tpu.memory_space<vmem>> -> memref<1x128xi32, #tpu.memory_space<vmem>>
    %dma_wait3A_54 = tpu.memref_squeeze %dma_wait3A_53 : memref<1x128xi32, #tpu.memory_space<vmem>> -> memref<128xi32, #tpu.memory_space<vmem>>
    %dma_wait3A_55 = arith.constant 0 : i32
    %dma_wait3A_56 = arith.constant 0 : i32
    %dma_wait3A_57 = tpu.memref_slice %arg13[%dma_wait3A_55, %dma_wait3A_56] : memref<10112x32xf32, #tpu.memory_space<vmem_shared>> -> memref<10112x32xf32, #tpu.memory_space<vmem_shared>>
    tpu.wait_indirect_dma semaphore(%arg18 : memref<!tpu.dma_semaphore, #tpu.memory_space<semaphore_mem>>) src(%arg8 : memref<128x32xf32, #tpu.memory_space<vmem>>) dst(%dma_wait3A_57 : memref<10112x32xf32, #tpu.memory_space<vmem_shared>>)
    %dma_wait3A_58 = arith.constant 0 : i32
    %dma_wait3A_59 = arith.constant 0 : i32
    %dma_wait3A_60 = tpu.memref_slice %arg7[%dma_wait3A_58, %dma_wait3A_59] : memref<79x128xi32, #tpu.memory_space<vmem>> -> memref<1x128xi32, #tpu.memory_space<vmem>>
    %dma_wait3A_61 = tpu.memref_squeeze %dma_wait3A_60 : memref<1x128xi32, #tpu.memory_space<vmem>> -> memref<128xi32, #tpu.memory_space<vmem>>
    %dma_wait3A_62 = arith.constant 0 : i32
    %dma_wait3A_63 = arith.constant 0 : i32
    %dma_wait3A_64 = tpu.memref_slice %arg13[%dma_wait3A_62, %dma_wait3A_63] : memref<10112x32xf32, #tpu.memory_space<vmem_shared>> -> memref<10112x32xf32, #tpu.memory_space<vmem_shared>>
    tpu.wait_indirect_dma semaphore(%arg19 : memref<!tpu.dma_semaphore, #tpu.memory_space<semaphore_mem>>) src(%arg9 : memref<128x32xf32, #tpu.memory_space<vmem>>) dst(%dma_wait3A_64 : memref<10112x32xf32, #tpu.memory_space<vmem_shared>>)
    %dma_wait3A_65 = arith.constant 0 : i32
    %dma_wait3A_66 = arith.constant 0 : i32
    %dma_wait3A_67 = tpu.memref_slice %arg7[%dma_wait3A_65, %dma_wait3A_66] : memref<79x128xi32, #tpu.memory_space<vmem>> -> memref<1x128xi32, #tpu.memory_space<vmem>>
    %dma_wait3A_68 = tpu.memref_squeeze %dma_wait3A_67 : memref<1x128xi32, #tpu.memory_space<vmem>> -> memref<128xi32, #tpu.memory_space<vmem>>
    %dma_wait3A_69 = arith.constant 0 : i32
    %dma_wait3A_70 = arith.constant 0 : i32
    %dma_wait3A_71 = tpu.memref_slice %arg13[%dma_wait3A_69, %dma_wait3A_70] : memref<10112x32xf32, #tpu.memory_space<vmem_shared>> -> memref<10112x32xf32, #tpu.memory_space<vmem_shared>>
    tpu.wait_indirect_dma semaphore(%arg20 : memref<!tpu.dma_semaphore, #tpu.memory_space<semaphore_mem>>) src(%arg10 : memref<128x32xf32, #tpu.memory_space<vmem>>) dst(%dma_wait3A_71 : memref<10112x32xf32, #tpu.memory_space<vmem_shared>>)
    %dma_wait3A_72 = arith.constant 0 : i32
    %dma_wait3A_73 = arith.constant 0 : i32
    %dma_wait3A_74 = tpu.memref_slice %arg7[%dma_wait3A_72, %dma_wait3A_73] : memref<79x128xi32, #tpu.memory_space<vmem>> -> memref<1x128xi32, #tpu.memory_space<vmem>>
    %dma_wait3A_75 = tpu.memref_squeeze %dma_wait3A_74 : memref<1x128xi32, #tpu.memory_space<vmem>> -> memref<128xi32, #tpu.memory_space<vmem>>
    %dma_wait3A_76 = arith.constant 0 : i32
    %dma_wait3A_77 = arith.constant 0 : i32
    %dma_wait3A_78 = tpu.memref_slice %arg13[%dma_wait3A_76, %dma_wait3A_77] : memref<10112x32xf32, #tpu.memory_space<vmem_shared>> -> memref<10112x32xf32, #tpu.memory_space<vmem_shared>>
    tpu.wait_indirect_dma semaphore(%arg21 : memref<!tpu.dma_semaphore, #tpu.memory_space<semaphore_mem>>) src(%arg11 : memref<128x32xf32, #tpu.memory_space<vmem>>) dst(%dma_wait3A_78 : memref<10112x32xf32, #tpu.memory_space<vmem_shared>>)
    %barrier3A_79 = arith.constant 0 : index
    tpu.barrier barrier_id(%barrier3A_79)
    %mul3A_80 = arith.constant 632 : i32
    %mul3A_81 = arith.muli %arg1, %mul3A_80 : i32
    "tpu.region"() ({
      %run_scoped3A = tpu.sem_alloc : memref<!tpu.dma_semaphore, #tpu.memory_space<semaphore_mem>>
      %dma_start3A_82 = arith.constant 0 : i32
      %dma_start3A_83 = arith.constant 0 : i32
      %dma_start3A_84 = tpu.memref_slice %arg5[%arg0, %dma_start3A_82, %dma_start3A_83] : memref<2x10112x32xf32, #tpu.memory_space<hbm>> -> memref<1x10112x32xf32, #tpu.memory_space<hbm>>
      %dma_start3A_85 = tpu.memref_squeeze %dma_start3A_84 : memref<1x10112x32xf32, #tpu.memory_space<hbm>> -> memref<10112x32xf32, #tpu.memory_space<hbm>>
      %dma_start3A_86 = arith.constant 0 : i32
      %dma_start3A_87 = tpu.memref_slice %dma_start3A_85[%mul3A_81, %dma_start3A_86] : memref<10112x32xf32, #tpu.memory_space<hbm>> -> memref<632x32xf32, #tpu.memory_space<hbm>>
      %dma_start3A_88 = arith.constant 0 : i32
      %dma_start3A_89 = tpu.memref_slice %arg13[%mul3A_81, %dma_start3A_88] : memref<10112x32xf32, #tpu.memory_space<vmem_shared>> -> memref<632x32xf32, #tpu.memory_space<vmem_shared>>
      tpu.enqueue_dma source(%dma_start3A_89 : memref<632x32xf32, #tpu.memory_space<vmem_shared>>) target(%dma_start3A_87 : memref<632x32xf32, #tpu.memory_space<hbm>>) target_semaphore(%run_scoped3A : memref<!tpu.dma_semaphore, #tpu.memory_space<semaphore_mem>>)
      %dma_wait3A_90 = arith.constant 0 : i32
      %dma_wait3A_91 = arith.constant 0 : i32
      %dma_wait3A_92 = tpu.memref_slice %arg5[%arg0, %dma_wait3A_90, %dma_wait3A_91] : memref<2x10112x32xf32, #tpu.memory_space<hbm>> -> memref<1x10112x32xf32, #tpu.memory_space<hbm>>
      %dma_wait3A_93 = tpu.memref_squeeze %dma_wait3A_92 : memref<1x10112x32xf32, #tpu.memory_space<hbm>> -> memref<10112x32xf32, #tpu.memory_space<hbm>>
      %dma_wait3A_94 = arith.constant 0 : i32
      %dma_wait3A_95 = tpu.memref_slice %dma_wait3A_93[%mul3A_81, %dma_wait3A_94] : memref<10112x32xf32, #tpu.memory_space<hbm>> -> memref<632x32xf32, #tpu.memory_space<hbm>>
      %dma_wait3A_96 = arith.constant 0 : i32
      %dma_wait3A_97 = tpu.memref_slice %arg13[%mul3A_81, %dma_wait3A_96] : memref<10112x32xf32, #tpu.memory_space<vmem_shared>> -> memref<632x32xf32, #tpu.memory_space<vmem_shared>>
      tpu.wait_dma2 semaphore(%run_scoped3A : memref<!tpu.dma_semaphore, #tpu.memory_space<semaphore_mem>>) src(%dma_wait3A_97 : memref<632x32xf32, #tpu.memory_space<vmem_shared>>) dst(%dma_wait3A_95 : memref<632x32xf32, #tpu.memory_space<hbm>>)
      tpu.yield
    }) : () -> ()
    return
  }
}

module attributes {stable_mosaic.version = 14 : i64} {
  func.func @_mm_body(%arg0: memref<10000x128xf32, #tpu.memory_space<vmem>>, %arg1: memref<3x128x32xf32, #tpu.memory_space<vmem>>, %arg2: memref<32x10240xf32, #tpu.memory_space<vmem>>, %arg3: memref<10016x32xf32, #tpu.memory_space<vmem>>) attributes {dimension_semantics = [], scalar_prefetch = 0 : i64, scratch_operands = 0 : i64, tpu.core_type = #tpu.core_type<tc>} {
    %get3A = arith.constant 0 : index
    %get3A_0 = arith.constant 0 : index
    %get3A_1 = vector.load %arg2[%get3A, %get3A_0] : memref<32x10240xf32, #tpu.memory_space<vmem>>, vector<32x10000xf32>
    %reduce_sum3A = arith.constant dense<0.000000e+00> : vector<10000xf32>
    %reduce_sum3A_2 = vector.multi_reduction <add>, %get3A_1, %reduce_sum3A [0] : vector<32x10000xf32> to vector<10000xf32>
    %max3A = arith.constant 1.000000e+00 : f32
    %max3A_3 = vector.broadcast %max3A : f32 to vector<10000xf32>
    %max3A_4 = arith.maximumf %reduce_sum3A_2, %max3A_3 : vector<10000xf32>
    %rsqrt3A = math.rsqrt %max3A_4 : vector<10000xf32>
    %get3A_5 = arith.constant 0 : index
    %get3A_6 = arith.constant 0 : index
    %get3A_7 = arith.constant 0 : index
    %get3A_8 = vector.load %arg1[%get3A_5, %get3A_6, %get3A_7] : memref<3x128x32xf32, #tpu.memory_space<vmem>>, vector<1x128x32xf32>
    %get3A_9 = vector.shape_cast %get3A_8 : vector<1x128x32xf32> to vector<128x32xf32>
    %get3A_10 = arith.constant 1 : index
    %get3A_11 = arith.constant 0 : index
    %get3A_12 = arith.constant 0 : index
    %get3A_13 = vector.load %arg1[%get3A_10, %get3A_11, %get3A_12] : memref<3x128x32xf32, #tpu.memory_space<vmem>>, vector<1x128x32xf32>
    %get3A_14 = vector.shape_cast %get3A_13 : vector<1x128x32xf32> to vector<128x32xf32>
    %add3A = arith.addf %get3A_9, %get3A_14 : vector<128x32xf32>
    %get3A_15 = arith.constant 2 : index
    %get3A_16 = arith.constant 0 : index
    %get3A_17 = arith.constant 0 : index
    %get3A_18 = vector.load %arg1[%get3A_15, %get3A_16, %get3A_17] : memref<3x128x32xf32, #tpu.memory_space<vmem>>, vector<1x128x32xf32>
    %get3A_19 = vector.shape_cast %get3A_18 : vector<1x128x32xf32> to vector<128x32xf32>
    %add3A_20 = arith.addf %add3A, %get3A_19 : vector<128x32xf32>
    %get3A_21 = arith.constant 0 : index
    %get3A_22 = arith.constant 0 : index
    %get3A_23 = vector.load %arg0[%get3A_21, %get3A_22] : memref<10000x128xf32, #tpu.memory_space<vmem>>, vector<10000x128xf32>
    %broadcast_in_dim3A = vector.shape_cast %rsqrt3A : vector<10000xf32> to vector<10000x1xf32>
    %mul3A = vector.broadcast %broadcast_in_dim3A : vector<10000x1xf32> to vector<10000x128xf32>
    %mul3A_24 = arith.mulf %get3A_23, %mul3A : vector<10000x128xf32>
    %dot_general3A = arith.constant dense<0.000000e+00> : vector<10000x32xf32>
    %dot_general3A_25 = tpu.matmul %mul3A_24, %add3A_20, %dot_general3A {dimension_numbers = #tpu.dot_dimension_numbers<[1], [0], [0], [1], [0, 0, 1, 1], [], []>, transpose_lhs_hint = false} : vector<10000x128xf32>, vector<128x32xf32>, vector<10000x32xf32> -> vector<10000x32xf32>
    %broadcast_in_dim3A_26 = arith.constant 0.000000e+00 : f32
    %broadcast_in_dim3A_27 = vector.broadcast %broadcast_in_dim3A_26 : f32 to vector<16x32xf32>
    %concatenate3A = tpu.concatenate %dot_general3A_25, %broadcast_in_dim3A_27 in 0 : vector<10000x32xf32>, vector<16x32xf32> -> vector<10016x32xf32>
    %swap3A = arith.constant 0 : index
    %swap3A_28 = arith.constant 0 : index
    %swap3A_29 = vector.load %arg3[%swap3A, %swap3A_28] : memref<10016x32xf32, #tpu.memory_space<vmem>>, vector<10016x32xf32>
    tpu.vector_store %arg3[%swap3A, %swap3A_28], %concatenate3A {strides = array<i32>} : memref<10016x32xf32, #tpu.memory_space<vmem>>, vector<10016x32xf32>,
    return
  }
}

module attributes {stable_mosaic.version = 14 : i64} {
  func.func @_fin_body(%arg0: memref<2x10112x32xf32, #tpu.memory_space<vmem>>, %arg1: memref<32x10240xf32, #tpu.memory_space<vmem>>, %arg2: memref<10000x32xf32, #tpu.memory_space<vmem>>) attributes {dimension_semantics = [], scalar_prefetch = 0 : i64, scratch_operands = 0 : i64, tpu.core_type = #tpu.core_type<tc>} {
    %get3A = arith.constant 0 : index
    %get3A_0 = arith.constant 0 : index
    %get3A_1 = vector.load %arg1[%get3A, %get3A_0] : memref<32x10240xf32, #tpu.memory_space<vmem>>, vector<32x10000xf32>
    %reduce_sum3A = arith.constant dense<0.000000e+00> : vector<10000xf32>
    %reduce_sum3A_2 = vector.multi_reduction <add>, %get3A_1, %reduce_sum3A [0] : vector<32x10000xf32> to vector<10000xf32>
    %max3A = arith.constant 1.000000e+00 : f32
    %max3A_3 = vector.broadcast %max3A : f32 to vector<10000xf32>
    %max3A_4 = arith.maximumf %reduce_sum3A_2, %max3A_3 : vector<10000xf32>
    %rsqrt3A = math.rsqrt %max3A_4 : vector<10000xf32>
    %get3A_5 = arith.constant 0 : index
    %get3A_6 = arith.constant 0 : index
    %get3A_7 = arith.constant 0 : index
    %get3A_8 = vector.load %arg0[%get3A_5, %get3A_6, %get3A_7] : memref<2x10112x32xf32, #tpu.memory_space<vmem>>, vector<1x10000x32xf32>
    %get3A_9 = vector.shape_cast %get3A_8 : vector<1x10000x32xf32> to vector<10000x32xf32>
    %get3A_10 = arith.constant 1 : index
    %get3A_11 = arith.constant 0 : index
    %get3A_12 = arith.constant 0 : index
    %get3A_13 = vector.load %arg0[%get3A_10, %get3A_11, %get3A_12] : memref<2x10112x32xf32, #tpu.memory_space<vmem>>, vector<1x10000x32xf32>
    %get3A_14 = vector.shape_cast %get3A_13 : vector<1x10000x32xf32> to vector<10000x32xf32>
    %add3A = arith.addf %get3A_9, %get3A_14 : vector<10000x32xf32>
    %broadcast_in_dim3A = vector.shape_cast %rsqrt3A : vector<10000xf32> to vector<10000x1xf32>
    %mul3A = vector.broadcast %broadcast_in_dim3A : vector<10000x1xf32> to vector<10000x32xf32>
    %mul3A_15 = arith.mulf %add3A, %mul3A : vector<10000x32xf32>
    %swap3A = arith.constant 0 : index
    %swap3A_16 = arith.constant 0 : index
    %swap3A_17 = vector.load %arg2[%swap3A, %swap3A_16] : memref<10000x32xf32, #tpu.memory_space<vmem>>, vector<10000x32xf32>
    tpu.vector_store %arg2[%swap3A, %swap3A_16], %mul3A_15 {strides = array<i32>} : memref<10000x32xf32, #tpu.memory_space<vmem>>, vector<10000x32xf32>,
    return
  }
}

</mosaic_0001>

<sc_bundles>
// kernel: kernel.6.cloned.1.call-start
scs
__scs_entry_jumppad:
0x0: {  	(pc) =	sbr.rel $0x88, $3  }
0x1: {  	(tag) =	ssettag $0x0;
	lr =	simm.s32 $0x1  }
0x2: {  	[smem:$0x3F9E] =	sst lr;
	_ =	strace $0xD0000000  }
0x3: {  	_ = 	snop  }
0x4: {  	_ = 	snop  }
0x5: {  	_ = 	snop  }
0x6: {  	_ = 	snop  }
0x7: {  	_ = 	snop  }
__scs_overlays_trampoline_lowered:
0x8: {  	[smem:$0x3FAD] =	sst s0  }
0x9: {  	[smem:$0x3FAE] =	sst s1  }
0xa: {  	[smem:$0x3FAF] =	sst s2  }
0xb: {  	[smem:$0x3FB0] =	sst s3  }
0xc: {  	[smem:$0x3FB1] =	sst s4  }
0xd: {  	[smem:$0x3FB2] =	sst s5  }
0xe: {  	[smem:$0x3FB3] =	sst s6  }
0xf: {  	[smem:$0x3FB4] =	sst s7  }
0x10: {  	[smem:$0x3FB5] =	sst s8  }
0x11: {  	[smem:$0x3FB6] =	sst s9;
	s0 =	simm.s32 @!p0 $0x0  }
0x12: {  	s1 =	sld [smem:$0x3F9C];
	s0 =	simm.s32 @p0 $0x1  }
0x13: {  	[smem:$0x3FB7] =	sst s0;
	s0 =	simm.s32 @!p1 $0x0  }
0x14: {  	s2 =	sld [smem:$0x3F9B];
	s0 =	simm.s32 @p1 $0x1  }
0x15: {  	[smem:$0x3FB8] =	sst s0;
	s0 =	simm.s32 @!p2 $0x0  }
0x16: {  	s3 =	sld [smem:$0x3FDB];
	s0 =	simm.s32 @p2 $0x1  }
0x17: {  	s4 =	simm.s32 $0x1BF5;
	[smem:$0x3FBA] =	sst s0  }
0x18: {  	s0 =	sld [smem:$0x3F9D];
	_ =	swait.ge [sflag:s4], $0x0  }
0x19: {  	s7 =	sld [smem:$0x3F9E]  }
0x1a: {  	s8 =	sadd.s32 $0xFFFFE003, lr  }
0x1b: {  	s9 =	sadd.s32 $0xFFFFFEF7, lr;
	s5 =	simm.s32 $0xFFFFFFFF;
	p2 =	slt.u32 s8, $0xFFFFF086  }
0x1c: {  	p1 =	slt.u32 s9, $0xF7A;
	s5 =	simm.s32 @!p2 $0x0  }
0x1d: {  	s5 =	simm.s32 @p1 $0x1;
	p0 =	seq.s32 s7, s2  }
0x1e: {  	s7 =	smul.u32 @!p0 $0xF7A, s2;
	p2 =	seq.s32 @!p0 s5, $0x0  }
0x1f: {  	s9 =	smul.u32 $0xF7A, s1;
	s8 =	simm.s32 @!p0 $0x1BF5;
	p2 =	por !p2, p0  }
0x20: {  	[sflag:s8] =	ssyncset.s32 @!p0 $0xFFFFF086;
	s6 =	sadd.s32 @!p0 s3, s7;
	s7 =	simm.s32 @!p0 $0x108  }
0x21: {  	s3 =	sadd.s32 s3, s9;
	s6 =	sadd.s32 @!p0 $0x88, s6;
	s7 =	simm.s32 @p2 $0x1082  }
0x22: {  	[simem:s7], [sflag:s8] =	dma.local @!p0 [hbm:s6], $0xF7A  }
0x23: {  	s9 =	sor.u32 $0xD0000000, s2;
	s6 =	simm.s32 $0x108;
	_ =	swait.ge @!p0 [sflag:s8], $0x0  }
0x24: {  	s3 =	sadd.s32 $0x88, s3;
	s6 =	simm.s32 @!p1 $0x1082;
	[sflag:s4] =	ssyncset.s32 $0xFFFFF086  }
0x25: {  	[simem:s6], [sflag:s4] =	dma.local [hbm:s3], $0xF7A  }
0x26: {  	[smem:$0x3F9E] =	sst s1;
	(tag) =	ssettag s2;
	_ =	strace s9  }
0x27: {  	s1 =	sld [smem:$0x3FAE]  }
0x28: {  	s2 =	sld [smem:$0x3FAF]  }
0x29: {  	s4 =	sld [smem:$0x3FB1]  }
0x2a: {  	p0 =	seq.s32 s5, $0x0;
	s5 =	sld [smem:$0x3FB2]  }
0x2b: {  	s6 =	sld [smem:$0x3FB3]  }
0x2c: {  	s7 =	sld [smem:$0x3FB4]  }
0x2d: {  	s3 =	simm.s32 $0x108;
	s8 =	sld [smem:$0x3FB5]  }
0x2e: {  	s3 =	simm.s32 @!p0 $0x1082;
	s9 =	sld [smem:$0x3FB6]  }
0x2f: {  	lr =	sadd.s32 s0, s3;
	s0 =	sld [smem:$0x3FAD]  }
0x30: {  	s3 =	sld [smem:$0x3FB0]  }
0x31: {  	[smem:$0x3FB9] =	sst s10  }
0x32: {  	s10 =	sld [smem:$0x3FB7];
	_ =	sdelay $0x3  }
0x33: {  	p0 =	seq.s32 s10, $0x1;
	s10 =	sld [smem:$0x3FB9];
	_ =	sdelay $0x3  }
0x34: {  	[smem:$0x3FB9] =	sst s10  }
0x35: {  	s10 =	sld [smem:$0x3FB8];
	_ =	sdelay $0x3  }
0x36: {  	p1 =	seq.s32 s10, $0x1;
	s10 =	sld [smem:$0x3FB9];
	_ =	sdelay $0x3  }
0x37: {  	[smem:$0x3FB9] =	sst s10  }
0x38: {  	s10 =	sld [smem:$0x3FBA]  }
0x39: {  	_ = 	snop;
	(pc) =	sbr.ind lr, $3  }
0x3a: {  	_ = 	snop  }
0x3b: {  	_ = 	snop  }
0x3c: {  	p2 =	seq.s32 s10, $0x1;
	s10 =	sld [smem:$0x3FB9]  }
0x3d: {  	_ =	shalt  }
0x3e: {  	_ =	shalt  }
0x3f: {  	_ =	shalt  }
0x40: {  	_ =	shalt  }
0x41: {  	_ =	shalt  }
0x42: {  	_ =	shalt  }
0x43: {  	_ =	shalt  }
0x44: {  	_ =	shalt  }
0x45: {  	_ =	shalt  }
0x46: {  	_ =	shalt  }
0x47: {  	_ =	shalt  }
0x48: {  	_ =	shalt  }
0x49: {  	_ =	shalt  }
0x4a: {  	_ =	shalt  }
0x4b: {  	_ =	shalt  }
0x4c: {  	_ =	shalt  }
0x4d: {  	_ =	shalt  }
0x4e: {  	_ =	shalt  }
0x4f: {  	_ =	shalt  }
0x50: {  	_ =	shalt  }
0x51: {  	_ =	shalt  }
0x52: {  	_ =	shalt  }
0x53: {  	_ =	shalt  }
0x54: {  	_ =	shalt  }
0x55: {  	_ =	shalt  }
0x56: {  	_ =	shalt  }
0x57: {  	_ =	shalt  }
0x58: {  	_ =	shalt  }
0x59: {  	_ =	shalt  }
0x5a: {  	_ =	shalt  }
0x5b: {  	_ =	shalt  }
0x5c: {  	_ =	shalt  }
0x5d: {  	_ =	shalt  }
0x5e: {  	_ =	shalt  }
0x5f: {  	_ =	shalt  }
0x60: {  	_ =	shalt  }
0x61: {  	_ =	shalt  }
0x62: {  	_ =	shalt  }
0x63: {  	_ =	shalt  }
0x64: {  	_ =	shalt  }
0x65: {  	_ =	shalt  }
0x66: {  	_ =	shalt  }
0x67: {  	_ =	shalt  }
0x68: {  	_ =	shalt  }
0x69: {  	_ =	shalt  }
0x6a: {  	_ =	shalt  }
0x6b: {  	_ =	shalt  }
0x6c: {  	_ =	shalt  }
0x6d: {  	_ =	shalt  }
0x6e: {  	_ =	shalt  }
0x6f: {  	_ =	shalt  }
0x70: {  	_ =	shalt  }
0x71: {  	_ =	shalt  }
0x72: {  	_ =	shalt  }
0x73: {  	_ =	shalt  }
0x74: {  	_ =	shalt  }
0x75: {  	_ =	shalt  }
0x76: {  	_ =	shalt  }
0x77: {  	_ =	shalt  }
0x78: {  	_ =	shalt  }
0x79: {  	_ =	shalt  }
0x7a: {  	_ =	shalt  }
0x7b: {  	_ =	shalt  }
0x7c: {  	_ =	shalt  }
0x7d: {  	_ =	shalt  }
0x7e: {  	_ =	shalt  }
0x7f: {  	_ =	shalt  }
0x80: {  	_ =	shalt  }
0x81: {  	_ =	shalt  }
0x82: {  	_ =	shalt  }
0x83: {  	_ =	shalt  }
0x84: {  	_ =	shalt  }
0x85: {  	_ =	shalt  }
0x86: {  	_ =	shalt  }
0x87: {  	_ =	shalt  }
.Lfunc_end0:
.L_simem_size_0:
called_computation_lowered:
.L_overlay_start_0:
0x88: {  	s2 =	sld [smem:$0x3FD9]  }
0x89: {  	s3 =	sld [smem:$0x3FFE];
	_ =	sdelay $0x1  }
0x8a: {  	s1 =	srdreg.scid  }
0x8b: {  	s0 =	sand.u32 $0x1, s1  }
0x8c: {  	s16 =	sshll.u32 s0, $0xA;
	s2 =	sadd.s32 s3, s2  }
0x8d: {  	s2 =	sadd.s32 s2, s16  }
0x8e: {  	[smem:$0x3FC5] =	sst s2  }
0x8f: {  	_ = 	snop  }
0x90: {  	(tm) =	ssettm $0x1  }
0x91: {  	s17 =	sld [smem:$0x3FFB];
	_ =	sdelay $0x3  }
0x92: {  	_ =	strace s17  }
0x93: {  	s2 =	sld [smem:$0x3FFC];
	_ =	sdelay $0x3  }
0x94: {  	_ =	strace s2  }
0x95: {  	s2 =	sld [smem:$0x3FFD];
	_ =	sdelay $0x3  }
0x96: {  	_ =	strace s2  }
0x97: {  	_ =	strace $0x8FFFFFFF  }
0x98: {  	s18 =	sld [smem:$0x3FDB];
	_ =	sdelay $0x1  }
0x99: {  	s19 =	simm.s32 $_scs_section_size  }
0x9a: {  	s4 =	simm.s32 $_size__tile_overlayer_lowered;
	s5 =	simm.s32 $_tile_overlayer_lowered  }
0x9b: {  	s22 =	simm.s32 $0x1BFF;
	s21 =	sshll.u32 s5, $0x1;
	s2 =	sadd.s32 s19, s18  }
0x9c: {  	s6 =	simm.s32 $0x0;
	s20 =	sshll.u32 s4, $0x1;
	s4 =	sadd.s32 s21, s2  }
0x9d: {  	[timem:s6], [sflag:s22] =	dma.local [hbm:s4], s20  }
0x9e: {  	_ =	swait.ge [sflag:s22], s20  }
0x9f: {  	s3 =	ssub.s32 $0x0, s20;
	[sflag:s22] =	ssyncset.done $0x0  }
0xa0: {  	[sflag:s22] =	ssyncadd.s32 s3;
	_ =	sdelay $0x1  }
0xa1: {  	s23 =	simm.s32 $0x1B8B  }
0xa2: {  	_ =	swait.ge [sflag:s23], $0x1  }
0xa3: {  	[sflag:s23] =	ssyncset.done $0x0  }
0xa4: {  	s25 =	simm.s32 $0x1B8E;
	s24 =	sld [smem:$0x3FFE];
	[sflag:s23] =	ssyncadd.s32 $0xFFFFFFFF  }
0xa5: {  	s26 =	simm.s32 $execute0_lowered;
	[smem:$0x3FD2] =	sst s25  }
0xa6: {  	s4 =	sshll.u32 s26, $0x1;
	_ =	strace $0x80000046;
	[dreg:$0x1] =	wrdreg $0xFFFFFFFF  }
0xa7: {  	s28 =	simm.s32 $_size_execute0_lowered;
	s2 =	sadd.s32 s2, s4;
	[dreg:$0x0] =	wrdreg $0x0  }
0xa8: {  	s4 =	sshll.u32 s28, $0x1;
	[dreg:$0x2] =	wrdreg s2  }
0xa9: {  	[dreg:$0x3] =	wrdreg s4  }
0xaa: {  	[dreg:$0x4] =	wrdreg $0xC0  }
0xab: {  	_ =	task [dreg:s6], $0x5FFFF  }
0xac: {  	[dreg:$0x1] =	wrdreg $0xFFFFFFFF  }
0xad: {  	[dreg:$0x0] =	wrdreg $0x60  }
0xae: {  	[dreg:$0x2] =	wrdreg s24  }
0xaf: {  	[dreg:$0x3] =	wrdreg $0x9  }
0xb0: {  	_ =	task.clear_ibuf [dreg:s6], $0x4FFFF;
	_ =	strace $0x90000046  }
0xb1: {  	s29 =	simm.s32 $0x9;
	_ =	strace $0x80000048  }
0xb2: {  	_ =	swait.ge [sflag:s29], $0x1  }
0xb3: {  	[sflag:s29] =	ssyncadd.s32 $0xFFFFFFFF  }
0xb4: {  	_ =	strace $0x90000048  }
0xb5: {  	_ =	sfence  }
0xb6: {  	s30 =	sld [smem:$0x0];
	_ =	sdelay $0x2  }
0xb7: {  	s31 =	sshll.u32 s1, $0xD;
	s1 =	sshrl.u32 s1, $0x2  }
0xb8: {  	s3 =	sand.u32 $0x4000, s31;
	s1 =	sadd.s32 s1, s30  }
0xb9: {  	s0 =	sor.u32 s3, s0;
	s1 =	sshll.u32 s1, $0x11  }
0xba: {  	s0 =	sor.u32 s1, s0  }
0xbb: {  	s0 =	sadd.s32 $0x8F2B, s0  }
0xbc: {  	[sflag:s0] =	ssyncadd.remote.s32 $0x1  }
0xbd: {  	_ =	sfence.sel $0xFFFF  }
0xbe: {  	[dreg:$0x0] =	wrdreg $0xFFFFFFFF;
	(pc) =	sbr.abs _section_cstart, $3  }
0xbf: {  	[dreg:$0x1] =	wrdreg $0xFFFFFFFF  }
0xc0: {  	_ =	task.clear_ibuf [dreg:s6], $0x2FFFF;
	_ =	strace $0x9FFFFFFF  }
0xc1: {  	(tm) =	ssettm $0x7FFFFFFF  }
tec
execute0_lowered:
.L_overlay_start_1:
0x0: {  	(tag) =	ssettag $0x1  }
0x1: {  	s0 =	srdreg.scid  }
0x2: {  	s4 =	rddreg [dreg:$0x0];
	s2 =	simm.s32 $0x0;
	s8 =	simm.s32 $0x1  }
0x3: {  	s9 =	simm.s32 $0x2800;
	s10 =	simm.s32 $0x5000;
	s3 =	sand.u32 $0x1, s0  }
0x4: {  	s11 =	simm.s32 $0x7800;
	s0 =	stileid.u32;
	s1 =	sshll.u32 s3, $0x4  }
0x5: {  	s12 =	simm.s32 $0x80;
	s13 =	simm.s32 $0x400;
	s5 =	sor.u32 s0, s1  }
0x6: {  	s14 =	simm.s32 $0x0;
	[smem:$0x7FF] =	sst s2;
	s6 =	sshrl.u32 s5, $0x3  }
0x7: {  	s7 =	sshll.u32 s0, $0x7;
	s3 =	ssub.s32 $0x2, s3;
	s6 =	smul.u32 $0x14000, s6  }
0x8: {  	s1 =	rddreg [dreg:$0x1];
	s7 =	sand.u32 $0x380, s7;
	s5 =	smul.u32 $0x500, s5  }
0x9: {  	_ =	strace $0x80000047;
	s31 =	sshrl.u32 s3, $0x1;
	s6 =	sor.u32 s7, s6  }
0xa: {  	s5 =	sadd.s32 s5, s4;
	s7 =	ssub.s32 s3, s31;
	s6 =	sshrl.u32 s6, $0x3  }
0xb: {  	s3 =	sadd.s32 $0xB400, s5;
	s7 =	smax.u32 s7, $0x1;
	s6 =	sadd.s32 s6, s4  }
0xc: {  	v0 =	vimm.f32 $0.0e+00;
	v1 =	vimm.f32 $1.000000000e+00;
	s4 =	sadd.s32 $0x15400, s5;
	s5 =	sadd.s32 $0x1F400, s6;
	s6 =	sadd.s32 $0x29400, s6  }
.LBB2_1:
0xd: {  	[tilespmem:s2], [sflag:$0x1] =	stream.linear.gather [hbm4b:s3+s2], $0x2780, $0x38;
	[tilespmem:$0xA000] =	vst v63  }
0xe: {  	_ =	swait.ge [sflag:s8], $0x2780  }
0xf: {  	[sflag:s8] =	ssyncset.done $0x0  }
0x10: {  	[sflag:s8] =	ssyncadd.s32 $0xFFFFD880  }
0x11: {  	[tilespmem:s9], [sflag:$0x1] =	stream.linear.gather [hbm4b:s4+s2], $0x2780, $0x38;
	[tilespmem:$0xA000] =	vst v63  }
0x12: {  	_ =	swait.ge [sflag:s8], $0x2780  }
0x13: {  	[sflag:s8] =	ssyncset.done $0x0  }
0x14: {  	s15 =	simm.s32 $0x0;
	[sflag:s8] =	ssyncadd.s32 $0xFFFFD880  }
.LBB2_2:
0x15: {  	p0 =	sne.s32 s15, $0x9FC0  }
.Ltmp0:
0x16: {  	_ = 	snop;
	(pc) =	sbr.rel @p0 .LBB2_2-.Ltmp0, $4  }
0x17: {  	_ = 	snop  }
0x18: {  	s16 =	sshra.s32 s15, $0x2  }
0x19: {  	[tilespmem:s16+$0x5000] =	vst v0  }
0x1a: {  	s15 =	sadd.s32 $0x40, s15;
	[tilespmem:s16+$0x7800] =	vst v0  }
0x1b: {  	s16 =	simm.s32 $0x0;
	s15 =	simm.s32 $0x40  }
.LBB2_4:
0x1c: {  	p0 =	sne.s32 s15, $0x9DC0;
	v2 =	vld [tilespmem:s16+$0x0];
	_ =	sdelay $0x7  }
0x1d: {  	[tilespmem:v2+s10+$0x0] =	vst.idx.add.f32.msk $0xffff, v1  }
0x1e: {  	v2 =	vld [tilespmem:s16+$0x2800];
	_ =	sdelay $0x3  }
.Ltmp1:
0x1f: {  	(pc) =	sbr.rel @p0 .LBB2_4-.Ltmp1, $2  }
0x20: {  	_ =	sdelay $0x2  }
0x21: {  	s16 =	sshra.s32 s15, $0x2;
	s15 =	sadd.s32 $0x40, s15;
	[tilespmem:v2+s11+$0x0] =	vst.idx.add.f32.msk $0xffff, v1  }
0x22: {  	v2 =	vld [tilespmem:s16+$0x0];
	_ =	sdelay $0x7  }
0x23: {  	[tilespmem:v2+s10+$0x0] =	vst.idx.add.f32.msk $0xffff, v1  }
0x24: {  	v2 =	vld [tilespmem:s16+$0x2800];
	_ =	sdelay $0x7  }
0x25: {  	[tilespmem:v2+s11+$0x0] =	vst.idx.add.f32.msk $0xffff, v1  }
0x26: {  	[hbm4b:s5+s12] =	stream.strided.scatter [tilespmem:s10], [sflag:$0x1], $0x2800, s13, s12, $0x38;
	[tilespmem:$0xA000] =	vst v63  }
0x27: {  	s14 =	sadd.s32 $0x1, s14;
	_ =	swait.ge [sflag:s8], $0x2800  }
0x28: {  	p0 =	sne.s32 s14, s7;
	[sflag:s8] =	ssyncset.done $0x0  }
.Ltmp2:
0x29: {  	[sflag:s8] =	ssyncadd.s32 $0xFFFFD800;
	(pc) =	sbr.rel @p0 .LBB2_1-.Ltmp2, $4  }
0x2a: {  	[hbm4b:s6+s12] =	stream.strided.scatter [tilespmem:s11], [sflag:$0x1], $0x2800, s13, s12, $0x38;
	[tilespmem:$0xA000] =	vst v63  }
0x2b: {  	_ =	swait.ge [sflag:s8], $0x2800  }
0x2c: {  	[sflag:s8] =	ssyncset.done $0x0  }
0x2d: {  	[sflag:s8] =	ssyncadd.s32 $0xFFFFD800  }
0x2e: {  	_ =	sfence.sel $0x180000  }
0x2f: {  	[bflag:$0x0] =	sbarrier.arrive $0xFFFF  }
0x30: {  	p0 =	sne.s32 s0, $0x0;
	_ =	strace $0x90000047  }
0x31: {  	s0 =	sadd.s32 @!p0 $0x100000, s1;
	[bflag:$0x2] =	sbarrier.arrive $0xFFFF  }
0x32: {  	[sflag:s0] =	ssyncadd.tile.s32 @!p0 $0x1;
	_ =	shalt  }
.Lfunc_end2:
_tile_overlayer_lowered:
.L_overlay_start_2:
0x33: {  	(tag) =	ssettag $0x2  }
0x34: {  	s0 =	rddreg [dreg:$0x0];
	s2 =	stileid.u32  }
0x35: {  	s1 =	rddreg [dreg:$0x1];
	p0 =	sne.s32 s2, $0x0  }
0x36: {  	s3 =	rddreg [dreg:$0x2];
	[bflag:$0x3] =	sbarrier.arrive $0xFFFF;
	s2 =	simm.s32 @!p0 $0x1C01  }
0x37: {  	[timem:s3], [sflag:s2] =	dma.local @!p0 [hbm:s0], s1  }
0x38: {  	s0 =	simm.s32 @!p0 $0x1  }
0x39: {  	_ =	swait.ge @!p0 [sflag:s0], s1  }
0x3a: {  	s1 =	ssub.s32 @!p0 $0x0, s1;
	[sflag:s0] =	ssyncset.done @!p0 $0x0  }
0x3b: {  	[sflag:s0] =	ssyncadd.s32 @!p0 s1  }
0x3c: {  	[bflag:$0x3] =	sbarrier.arrive $0xFFFF  }
0x3d: {  	_ =	shalt  }

// kernel: kernel.9.cloned.1.call-start
scs
__scs_entry_jumppad:
0x0: {  	(pc) =	sbr.rel $0x88, $3  }
0x1: {  	(tag) =	ssettag $0x0;
	lr =	simm.s32 $0x1  }
0x2: {  	[smem:$0x3F9E] =	sst lr;
	_ =	strace $0xD0000000  }
0x3: {  	_ = 	snop  }
0x4: {  	_ = 	snop  }
0x5: {  	_ = 	snop  }
0x6: {  	_ = 	snop  }
0x7: {  	_ = 	snop  }
__scs_overlays_trampoline_lowered:
0x8: {  	[smem:$0x3FAD] =	sst s0  }
0x9: {  	[smem:$0x3FAE] =	sst s1  }
0xa: {  	[smem:$0x3FAF] =	sst s2  }
0xb: {  	[smem:$0x3FB0] =	sst s3  }
0xc: {  	[smem:$0x3FB1] =	sst s4  }
0xd: {  	[smem:$0x3FB2] =	sst s5  }
0xe: {  	[smem:$0x3FB3] =	sst s6  }
0xf: {  	[smem:$0x3FB4] =	sst s7  }
0x10: {  	[smem:$0x3FB5] =	sst s8  }
0x11: {  	[smem:$0x3FB6] =	sst s9;
	s0 =	simm.s32 @!p0 $0x0  }
0x12: {  	s1 =	sld [smem:$0x3F9C];
	s0 =	simm.s32 @p0 $0x1  }
0x13: {  	[smem:$0x3FB7] =	sst s0;
	s0 =	simm.s32 @!p1 $0x0  }
0x14: {  	s2 =	sld [smem:$0x3F9B];
	s0 =	simm.s32 @p1 $0x1  }
0x15: {  	[smem:$0x3FB8] =	sst s0;
	s0 =	simm.s32 @!p2 $0x0  }
0x16: {  	s3 =	sld [smem:$0x3FDB];
	s0 =	simm.s32 @p2 $0x1  }
0x17: {  	s4 =	simm.s32 $0x1BF5;
	[smem:$0x3FBA] =	sst s0  }
0x18: {  	s0 =	sld [smem:$0x3F9D];
	_ =	swait.ge [sflag:s4], $0x0  }
0x19: {  	s7 =	sld [smem:$0x3F9E]  }
0x1a: {  	s8 =	sadd.s32 $0xFFFFE003, lr  }
0x1b: {  	s9 =	sadd.s32 $0xFFFFFEF7, lr;
	s5 =	simm.s32 $0xFFFFFFFF;
	p2 =	slt.u32 s8, $0xFFFFF086  }
0x1c: {  	p1 =	slt.u32 s9, $0xF7A;
	s5 =	simm.s32 @!p2 $0x0  }
0x1d: {  	s5 =	simm.s32 @p1 $0x1;
	p0 =	seq.s32 s7, s2  }
0x1e: {  	s7 =	smul.u32 @!p0 $0xF7A, s2;
	p2 =	seq.s32 @!p0 s5, $0x0  }
0x1f: {  	s9 =	smul.u32 $0xF7A, s1;
	s8 =	simm.s32 @!p0 $0x1BF5;
	p2 =	por !p2, p0  }
0x20: {  	[sflag:s8] =	ssyncset.s32 @!p0 $0xFFFFF086;
	s6 =	sadd.s32 @!p0 s3, s7;
	s7 =	simm.s32 @!p0 $0x108  }
0x21: {  	s3 =	sadd.s32 s3, s9;
	s6 =	sadd.s32 @!p0 $0x88, s6;
	s7 =	simm.s32 @p2 $0x1082  }
0x22: {  	[simem:s7], [sflag:s8] =	dma.local @!p0 [hbm:s6], $0xF7A  }
0x23: {  	s9 =	sor.u32 $0xD0000000, s2;
	s6 =	simm.s32 $0x108;
	_ =	swait.ge @!p0 [sflag:s8], $0x0  }
0x24: {  	s3 =	sadd.s32 $0x88, s3;
	s6 =	simm.s32 @!p1 $0x1082;
	[sflag:s4] =	ssyncset.s32 $0xFFFFF086  }
0x25: {  	[simem:s6], [sflag:s4] =	dma.local [hbm:s3], $0xF7A  }
0x26: {  	[smem:$0x3F9E] =	sst s1;
	(tag) =	ssettag s2;
	_ =	strace s9  }
0x27: {  	s1 =	sld [smem:$0x3FAE]  }
0x28: {  	s2 =	sld [smem:$0x3FAF]  }
0x29: {  	s4 =	sld [smem:$0x3FB1]  }
0x2a: {  	p0 =	seq.s32 s5, $0x0;
	s5 =	sld [smem:$0x3FB2]  }
0x2b: {  	s6 =	sld [smem:$0x3FB3]  }
0x2c: {  	s7 =	sld [smem:$0x3FB4]  }
0x2d: {  	s3 =	simm.s32 $0x108;
	s8 =	sld [smem:$0x3FB5]  }
0x2e: {  	s3 =	simm.s32 @!p0 $0x1082;
	s9 =	sld [smem:$0x3FB6]  }
0x2f: {  	lr =	sadd.s32 s0, s3;
	s0 =	sld [smem:$0x3FAD]  }
0x30: {  	s3 =	sld [smem:$0x3FB0]  }
0x31: {  	[smem:$0x3FB9] =	sst s10  }
0x32: {  	s10 =	sld [smem:$0x3FB7];
	_ =	sdelay $0x3  }
0x33: {  	p0 =	seq.s32 s10, $0x1;
	s10 =	sld [smem:$0x3FB9];
	_ =	sdelay $0x3  }
0x34: {  	[smem:$0x3FB9] =	sst s10  }
0x35: {  	s10 =	sld [smem:$0x3FB8];
	_ =	sdelay $0x3  }
0x36: {  	p1 =	seq.s32 s10, $0x1;
	s10 =	sld [smem:$0x3FB9];
	_ =	sdelay $0x3  }
0x37: {  	[smem:$0x3FB9] =	sst s10  }
0x38: {  	s10 =	sld [smem:$0x3FBA]  }
0x39: {  	_ = 	snop;
	(pc) =	sbr.ind lr, $3  }
0x3a: {  	_ = 	snop  }
0x3b: {  	_ = 	snop  }
0x3c: {  	p2 =	seq.s32 s10, $0x1;
	s10 =	sld [smem:$0x3FB9]  }
0x3d: {  	_ =	shalt  }
0x3e: {  	_ =	shalt  }
0x3f: {  	_ =	shalt  }
0x40: {  	_ =	shalt  }
0x41: {  	_ =	shalt  }
0x42: {  	_ =	shalt  }
0x43: {  	_ =	shalt  }
0x44: {  	_ =	shalt  }
0x45: {  	_ =	shalt  }
0x46: {  	_ =	shalt  }
0x47: {  	_ =	shalt  }
0x48: {  	_ =	shalt  }
0x49: {  	_ =	shalt  }
0x4a: {  	_ =	shalt  }
0x4b: {  	_ =	shalt  }
0x4c: {  	_ =	shalt  }
0x4d: {  	_ =	shalt  }
0x4e: {  	_ =	shalt  }
0x4f: {  	_ =	shalt  }
0x50: {  	_ =	shalt  }
0x51: {  	_ =	shalt  }
0x52: {  	_ =	shalt  }
0x53: {  	_ =	shalt  }
0x54: {  	_ =	shalt  }
0x55: {  	_ =	shalt  }
0x56: {  	_ =	shalt  }
0x57: {  	_ =	shalt  }
0x58: {  	_ =	shalt  }
0x59: {  	_ =	shalt  }
0x5a: {  	_ =	shalt  }
0x5b: {  	_ =	shalt  }
0x5c: {  	_ =	shalt  }
0x5d: {  	_ =	shalt  }
0x5e: {  	_ =	shalt  }
0x5f: {  	_ =	shalt  }
0x60: {  	_ =	shalt  }
0x61: {  	_ =	shalt  }
0x62: {  	_ =	shalt  }
0x63: {  	_ =	shalt  }
0x64: {  	_ =	shalt  }
0x65: {  	_ =	shalt  }
0x66: {  	_ =	shalt  }
0x67: {  	_ =	shalt  }
0x68: {  	_ =	shalt  }
0x69: {  	_ =	shalt  }
0x6a: {  	_ =	shalt  }
0x6b: {  	_ =	shalt  }
0x6c: {  	_ =	shalt  }
0x6d: {  	_ =	shalt  }
0x6e: {  	_ =	shalt  }
0x6f: {  	_ =	shalt  }
0x70: {  	_ =	shalt  }
0x71: {  	_ =	shalt  }
0x72: {  	_ =	shalt  }
0x73: {  	_ =	shalt  }
0x74: {  	_ =	shalt  }
0x75: {  	_ =	shalt  }
0x76: {  	_ =	shalt  }
0x77: {  	_ =	shalt  }
0x78: {  	_ =	shalt  }
0x79: {  	_ =	shalt  }
0x7a: {  	_ =	shalt  }
0x7b: {  	_ =	shalt  }
0x7c: {  	_ =	shalt  }
0x7d: {  	_ =	shalt  }
0x7e: {  	_ =	shalt  }
0x7f: {  	_ =	shalt  }
0x80: {  	_ =	shalt  }
0x81: {  	_ =	shalt  }
0x82: {  	_ =	shalt  }
0x83: {  	_ =	shalt  }
0x84: {  	_ =	shalt  }
0x85: {  	_ =	shalt  }
0x86: {  	_ =	shalt  }
0x87: {  	_ =	shalt  }
.Lfunc_end0:
.L_simem_size_0:
called_computation.1_lowered:
.L_overlay_start_0:
0x88: {  	s2 =	sld [smem:$0x3FD9]  }
0x89: {  	s3 =	sld [smem:$0x3FFE];
	_ =	sdelay $0x1  }
0x8a: {  	s1 =	srdreg.scid  }
0x8b: {  	s0 =	sand.u32 $0x1, s1  }
0x8c: {  	s17 =	sshll.u32 s0, $0xA;
	s2 =	sadd.s32 s3, s2  }
0x8d: {  	s2 =	sadd.s32 s2, s17  }
0x8e: {  	[smem:$0x3FC5] =	sst s2  }
0x8f: {  	_ = 	snop  }
0x90: {  	s2 =	sld [smem:$0x3FD0];
	(tm) =	ssettm $0x1  }
0x91: {  	s18 =	sld [smem:$0x3FFB];
	_ =	sdelay $0x3  }
0x92: {  	_ =	strace s18  }
0x93: {  	s3 =	sld [smem:$0x3FFC];
	_ =	sdelay $0x3  }
0x94: {  	_ =	strace s3  }
0x95: {  	s3 =	sld [smem:$0x3FFD];
	_ =	sdelay $0x3  }
0x96: {  	_ =	strace s3  }
0x97: {  	_ =	strace $0x8FFFFFFF  }
0x98: {  	s19 =	sld [smem:$0x3FDB];
	_ =	sdelay $0x1  }
0x99: {  	s4 =	simm.s32 $_scs_section_size  }
0x9a: {  	s5 =	simm.s32 $_size__tile_overlayer_lowered;
	s6 =	simm.s32 $_tile_overlayer_lowered  }
0x9b: {  	s22 =	simm.s32 $0x1BFF;
	s21 =	sshll.u32 s6, $0x1;
	s3 =	sadd.s32 s4, s19  }
0x9c: {  	s7 =	simm.s32 $0x0;
	s20 =	sshll.u32 s5, $0x1;
	s5 =	sadd.s32 s21, s3  }
0x9d: {  	[timem:s7], [sflag:s22] =	dma.local [hbm:s5], s20  }
0x9e: {  	_ =	swait.ge [sflag:s22], s20  }
0x9f: {  	s4 =	ssub.s32 $0x0, s20;
	[sflag:s22] =	ssyncset.done $0x0  }
0xa0: {  	[sflag:s22] =	ssyncadd.s32 s4;
	_ =	sdelay $0x1  }
0xa1: {  	s23 =	simm.s32 $0x1B8B  }
0xa2: {  	_ =	swait.ge [sflag:s23], $0x1  }
0xa3: {  	[sflag:s23] =	ssyncset.done $0x0  }
0xa4: {  	s25 =	simm.s32 $0x1B8E;
	s24 =	sld [smem:$0x3FFE];
	[sflag:s23] =	ssyncadd.s32 $0xFFFFFFFF  }
0xa5: {  	s26 =	simm.s32 $execute0_lowered;
	[smem:$0x3FD2] =	sst s25  }
0xa6: {  	s5 =	sshll.u32 s26, $0x1;
	_ =	strace $0x80000049;
	[dreg:$0x1] =	wrdreg $0xFFFFFFFF  }
0xa7: {  	s28 =	simm.s32 $_size_execute0_lowered;
	s3 =	sadd.s32 s3, s5;
	[dreg:$0x0] =	wrdreg $0x0  }
0xa8: {  	s5 =	sshll.u32 s28, $0x1;
	[dreg:$0x2] =	wrdreg s3  }
0xa9: {  	[dreg:$0x3] =	wrdreg s5  }
0xaa: {  	[dreg:$0x4] =	wrdreg $0xC0  }
0xab: {  	_ =	task [dreg:s7], $0x5FFFF  }
0xac: {  	[dreg:$0x1] =	wrdreg $0xFFFFFFFF  }
0xad: {  	[dreg:$0x0] =	wrdreg $0x60  }
0xae: {  	[dreg:$0x2] =	wrdreg s24  }
0xaf: {  	[dreg:$0x3] =	wrdreg s2  }
0xb0: {  	[dreg:$0x4] =	wrdreg $0x9F000  }
0xb1: {  	[dreg:$0x5] =	wrdreg $0x9  }
0xb2: {  	_ =	task.clear_ibuf [dreg:s7], $0x6FFFF;
	_ =	strace $0x90000049  }
0xb3: {  	s29 =	simm.s32 $0x9;
	_ =	strace $0x8000004B  }
0xb4: {  	_ =	swait.ge [sflag:s29], $0x1  }
0xb5: {  	[sflag:s29] =	ssyncadd.s32 $0xFFFFFFFF  }
0xb6: {  	_ =	strace $0x9000004B  }
0xb7: {  	_ =	sfence  }
0xb8: {  	s30 =	sld [smem:$0x0];
	_ =	sdelay $0x2  }
0xb9: {  	s31 =	sshll.u32 s1, $0xD;
	s1 =	sshrl.u32 s1, $0x2  }
0xba: {  	s3 =	sand.u32 $0x4000, s31;
	s1 =	sadd.s32 s1, s30  }
0xbb: {  	s0 =	sor.u32 s3, s0;
	s1 =	sshll.u32 s1, $0x11  }
0xbc: {  	s0 =	sor.u32 s1, s0  }
0xbd: {  	s0 =	sadd.s32 $0x8F2B, s0  }
0xbe: {  	[sflag:s0] =	ssyncadd.remote.s32 $0x1  }
0xbf: {  	_ =	sfence.sel $0xFFFF  }
0xc0: {  	[dreg:$0x0] =	wrdreg $0xFFFFFFFF;
	(pc) =	sbr.abs _section_cstart, $3  }
0xc1: {  	[dreg:$0x1] =	wrdreg $0xFFFFFFFF  }
0xc2: {  	_ =	task.clear_ibuf [dreg:s7], $0x2FFFF;
	_ =	strace $0x9FFFFFFF  }
0xc3: {  	(tm) =	ssettm $0x7FFFFFFF  }
tec
execute0_lowered:
.L_overlay_start_1:
0x0: {  	(tag) =	ssettag $0x1  }
0x1: {  	s1 =	rddreg [dreg:$0x0]  }
0x2: {  	s0 =	srdreg.scid;
	s3 =	rddreg [dreg:$0x1]  }
0x3: {  	s15 =	stileid.u32;
	s2 =	rddreg [dreg:$0x2]  }
0x4: {  	s6 =	simm.s32 $0x0;
	s13 =	simm.s32 $0x9;
	s14 =	simm.s32 $0x2780  }
0x5: {  	s16 =	simm.s32 $0x80;
	s17 =	simm.s32 $0x4F00;
	s18 =	simm.s32 $0x5F00  }
0x6: {  	s19 =	simm.s32 $0x1;
	s21 =	simm.s32 $0x6F00;
	s22 =	simm.s32 $0x2  }
0x7: {  	s28 =	simm.s32 $0x7F00;
	s29 =	simm.s32 $0x3;
	s31 =	simm.s32 $0x5  }
0x8: {  	s30 =	simm.s32 $0x8;
	s0 =	sand.u32 $0x1, s0;
	[smem:$0x7FF] =	sst s6  }
0x9: {  	s25 =	sshll.u32 s15, $0xC;
	s26 =	smul.u32 $0x4F00, s15;
	p0 =	seq.s32 s15, $0xF  }
0xa: {  	s4 =	sshll.u32 s0, $0x4;
	s23 =	smul.u32 $0x9E00, s0;
	s0 =	ssub.s32 $0x2, s0  }
0xb: {  	_ =	strace $0x8000004A;
	s4 =	sor.u32 s15, s4;
	s24 =	sshrl.u32 s0, $0x1  }
0xc: {  	s20 =	sshrl.u32 s26, $0x3;
	s15 =	simm.s32 $0x8F00;
	s5 =	smul.u32 $0x4F0, s4  }
0xd: {  	s4 =	sadd.s32 $0xB400, s1;
	s0 =	ssub.s32 s0, s24;
	s24 =	simm.s32 $0x6  }
0xe: {  	s12 =	smax.u32 s0, $0x1;
	s0 =	simm.s32 $0x0;
	s3 =	sadd.s32 s3, s5  }
0xf: {  	s7 =	sadd.s32 s5, s1;
	s1 =	sadd.s32 s23, s1;
	[dreg:$0x4] =	wrdreg s3  }
0x10: {  	s6 =	sadd.s32 $0x1600, s7;
	s7 =	sadd.s32 s25, s2;
	s1 =	sadd.s32 $0x15200, s1  }
0x11: {  	s3 =	sadd.s32 s26, s2;
	s26 =	simm.s32 $0x7;
	s8 =	sadd.s32 $0x10000, s7  }
0x12: {  	s9 =	sadd.s32 $0x20000, s7;
	s10 =	sadd.s32 $0x30000, s7;
	s11 =	sadd.s32 $0x40000, s7  }
0x13: {  	v0 =	vimm.f32 $0.0e+00;
	s23 =	sadd.s32 s20, s1;
	s25 =	sshrl.u32 s3, $0x3;
	s20 =	simm.s32 $0x4  }
.LBB2_1:
0x14: {  	s1 =	simm.s32 $0x0;
	s3 =	rddreg [dreg:$0x4]  }
0x15: {  	[tilespmem:s1], [sflag:$0x9] =	stream.linear.gather [hbm4b:s3+s1], $0x2780, $0x38;
	[tilespmem:$0xEE00] =	vst v63  }
0x16: {  	_ =	swait.ge [sflag:s13], $0x2780  }
0x17: {  	[sflag:s13] =	ssyncset.done $0x0  }
0x18: {  	[sflag:s13] =	ssyncadd.s32 $0xFFFFD880  }
0x19: {  	[tilespmem:s14], [sflag:$0x9] =	stream.linear.gather [hbm4b:s6+s1], $0x2780, $0x38;
	[tilespmem:$0xEE00] =	vst v63  }
0x1a: {  	_ =	swait.ge [sflag:s13], $0x2780  }
0x1b: {  	[sflag:s13] =	ssyncset.done $0x0  }
0x1c: {  	s3 =	simm.s32 $0x0;
	s1 =	simm.s32 $0x80;
	[sflag:s13] =	ssyncadd.s32 $0xFFFFD880  }
.LBB2_2:
0x1d: {  	p1 =	sne.s32 s1, $0x3F80;
	[tilespmem:s3+$0x8F00] =	vst v0;
	s5 =	smov.u32 s1;
	s1 =	sadd.s32 $0x80, s1  }
.Ltmp0:
0x1e: {  	[tilespmem:s3+$0x8F10] =	vst v0;
	(pc) =	sbr.rel @p1 .LBB2_2-.Ltmp0, $2  }
0x1f: {  	_ =	sdelay $0x2  }
0x20: {  	s3 =	sshra.s32 s5, $0x2  }
0x21: {  	[tilespmem:s3+$0x8F00] =	vst v0  }
0x22: {  	[tilespmem:s3+$0x8F10] =	vst v0  }
0x23: {  	[spmem:s7] =	stream.linear.scatter [tilespmem:s15], [sflag:$0x9], $0x1000, $0x38;
	[tilespmem:$0xEE00] =	vst v63  }
0x24: {  	_ =	swait.ge [sflag:s13], $0x1000  }
0x25: {  	[sflag:s13] =	ssyncset.done $0x0  }
0x26: {  	[sflag:s13] =	ssyncadd.s32 $0xFFFFF000  }
0x27: {  	[spmem:s8] =	stream.linear.scatter [tilespmem:s15], [sflag:$0x9], $0x1000, $0x38;
	[tilespmem:$0xEE00] =	vst v63  }
0x28: {  	_ =	swait.ge [sflag:s13], $0x1000  }
0x29: {  	[sflag:s13] =	ssyncset.done $0x0  }
0x2a: {  	[sflag:s13] =	ssyncadd.s32 $0xFFFFF000  }
0x2b: {  	[spmem:s9] =	stream.linear.scatter [tilespmem:s15], [sflag:$0x9], $0x1000, $0x38;
	[tilespmem:$0xEE00] =	vst v63  }
0x2c: {  	_ =	swait.ge [sflag:s13], $0x1000  }
0x2d: {  	[sflag:s13] =	ssyncset.done $0x0  }
0x2e: {  	[sflag:s13] =	ssyncadd.s32 $0xFFFFF000  }
0x2f: {  	[spmem:s10] =	stream.linear.scatter [tilespmem:s15], [sflag:$0x9], $0x1000, $0x38;
	[tilespmem:$0xEE00] =	vst v63  }
0x30: {  	_ =	swait.ge [sflag:s13], $0x1000  }
0x31: {  	[sflag:s13] =	ssyncset.done $0x0  }
0x32: {  	s1 =	simm.s32 @!p0 $0x8F00;
	[sflag:s13] =	ssyncadd.s32 $0xFFFFF000  }
0x33: {  	[spmem:s11] =	stream.linear.scatter @!p0 [tilespmem:s1], [sflag:$0x9], $0x1000, $0x38;
	[tilespmem:$0xEE00] =	vst v63  }
0x34: {  	s1 =	simm.s32 @!p0 $0x9  }
0x35: {  	_ =	swait.ge @!p0 [sflag:s1], $0x1000  }
0x36: {  	[sflag:s1] =	ssyncset.done @!p0 $0x0  }
0x37: {  	[sflag:s1] =	ssyncadd.s32 @!p0 $0xFFFFF000  }
0x38: {  	s3 =	simm.s32 $0x0;
	[bflag:$0x0] =	sbarrier.arrive $0xFFFF  }
0x39: {  	[tilespmem:s17], [sflag:$0x1] =	stream.indirect.gather [hbm4b:s4+s16], $0x20, s3, s16, $0xb8;
	[tilespmem:$0xEE00] =	vst v63  }
0x3a: {  	_ = 	snop  }
0x3b: {  	[tilespmem:s18], [sflag:$0x2] =	stream.indirect.gather [hbm4b:s4+s16], $0x20, s16, s16, $0xb8;
	[tilespmem:$0xEE00] =	vst v63  }
0x3c: {  	_ =	swait.ge [sflag:s19], $0x1000  }
0x3d: {  	[sflag:s19] =	ssyncset.done $0x0  }
0x3e: {  	[sflag:s19] =	ssyncadd.s32 $0xFFFFF000  }
0x3f: {  	[spmem:s2] =	stream.indirect.scatter.add.f32 [tilespmem:s17], [sflag:$0x5], $0x20, s14, s16, $0xb8;
	[tilespmem:$0xEE00] =	vst v63  }
0x40: {  	s5 =	simm.s32 $0x100  }
0x41: {  	[tilespmem:s21], [sflag:$0x3] =	stream.indirect.gather [hbm4b:s4+s16], $0x20, s5, s16, $0xb8;
	[tilespmem:$0xEE00] =	vst v63  }
0x42: {  	_ =	swait.ge [sflag:s22], $0x1000  }
0x43: {  	[sflag:s22] =	ssyncset.done $0x0  }
0x44: {  	s3 =	simm.s32 $0x2800;
	[sflag:s22] =	ssyncadd.s32 $0xFFFFF000  }
0x45: {  	[spmem:s2] =	stream.indirect.scatter.add.f32 [tilespmem:s18], [sflag:$0x6], $0x20, s3, s16, $0xb8;
	[tilespmem:$0xEE00] =	vst v63  }
0x46: {  	s5 =	simm.s32 $0x180  }
0x47: {  	[tilespmem:s28], [sflag:$0x4] =	stream.indirect.gather [hbm4b:s4+s16], $0x20, s5, s16, $0xb8;
	[tilespmem:$0xEE00] =	vst v63  }
0x48: {  	_ =	swait.ge [sflag:s29], $0x1000  }
0x49: {  	[sflag:s29] =	ssyncset.done $0x0  }
0x4a: {  	s3 =	simm.s32 $0x2880;
	[sflag:s29] =	ssyncadd.s32 $0xFFFFF000  }
0x4b: {  	[spmem:s2] =	stream.indirect.scatter.add.f32 [tilespmem:s21], [sflag:$0x7], $0x20, s3, s16, $0xb8;
	[tilespmem:$0xEE00] =	vst v63  }
0x4c: {  	_ =	swait.ge [sflag:s31], $0x1000  }
0x4d: {  	[sflag:s31] =	ssyncset.done $0x0  }
0x4e: {  	s5 =	simm.s32 $0x200;
	[sflag:s31] =	ssyncadd.s32 $0xFFFFF000  }
0x4f: {  	[tilespmem:s17], [sflag:$0x1] =	stream.indirect.gather [hbm4b:s4+s16], $0x20, s5, s16, $0xb8;
	[tilespmem:$0xEE00] =	vst v63  }
0x50: {  	_ =	swait.ge [sflag:s20], $0x1000  }
0x51: {  	[sflag:s20] =	ssyncset.done $0x0  }
0x52: {  	s3 =	simm.s32 $0x2900;
	[sflag:s20] =	ssyncadd.s32 $0xFFFFF000  }
0x53: {  	[spmem:s2] =	stream.indirect.scatter.add.f32 [tilespmem:s28], [sflag:$0x8], $0x20, s3, s16, $0xb8;
	[tilespmem:$0xEE00] =	vst v63  }
0x54: {  	_ =	swait.ge [sflag:s24], $0x1000  }
0x55: {  	[sflag:s24] =	ssyncset.done $0x0  }
0x56: {  	s5 =	simm.s32 $0x280;
	[sflag:s24] =	ssyncadd.s32 $0xFFFFF000  }
0x57: {  	[tilespmem:s18], [sflag:$0x2] =	stream.indirect.gather [hbm4b:s4+s16], $0x20, s5, s16, $0xb8;
	[tilespmem:$0xEE00] =	vst v63  }
0x58: {  	_ =	swait.ge [sflag:s19], $0x1000  }
0x59: {  	[sflag:s19] =	ssyncset.done $0x0  }
0x5a: {  	s3 =	simm.s32 $0x2980;
	[sflag:s19] =	ssyncadd.s32 $0xFFFFF000  }
0x5b: {  	[spmem:s2] =	stream.indirect.scatter.add.f32 [tilespmem:s17], [sflag:$0x5], $0x20, s3, s16, $0xb8;
	[tilespmem:$0xEE00] =	vst v63  }
0x5c: {  	_ =	swait.ge [sflag:s26], $0x1000  }
0x5d: {  	[sflag:s26] =	ssyncset.done $0x0  }
0x5e: {  	s5 =	simm.s32 $0x300;
	[sflag:s26] =	ssyncadd.s32 $0xFFFFF000  }
0x5f: {  	[tilespmem:s21], [sflag:$0x3] =	stream.indirect.gather [hbm4b:s4+s16], $0x20, s5, s16, $0xb8;
	[tilespmem:$0xEE00] =	vst v63  }
0x60: {  	_ =	swait.ge [sflag:s22], $0x1000  }
0x61: {  	[sflag:s22] =	ssyncset.done $0x0  }
0x62: {  	s3 =	simm.s32 $0x2A00;
	[sflag:s22] =	ssyncadd.s32 $0xFFFFF000  }
0x63: {  	[spmem:s2] =	stream.indirect.scatter.add.f32 [tilespmem:s18], [sflag:$0x6], $0x20, s3, s16, $0xb8;
	[tilespmem:$0xEE00] =	vst v63  }
0x64: {  	_ =	swait.ge [sflag:s30], $0x1000  }
0x65: {  	[sflag:s30] =	ssyncset.done $0x0  }
0x66: {  	s5 =	simm.s32 $0x380;
	[sflag:s30] =	ssyncadd.s32 $0xFFFFF000  }
0x67: {  	[tilespmem:s28], [sflag:$0x4] =	stream.indirect.gather [hbm4b:s4+s16], $0x20, s5, s16, $0xb8;
	[tilespmem:$0xEE00] =	vst v63  }
0x68: {  	_ =	swait.ge [sflag:s29], $0x1000  }
0x69: {  	[sflag:s29] =	ssyncset.done $0x0  }
0x6a: {  	s3 =	simm.s32 $0x2A80;
	[sflag:s29] =	ssyncadd.s32 $0xFFFFF000  }
0x6b: {  	[spmem:s2] =	stream.indirect.scatter.add.f32 [tilespmem:s21], [sflag:$0x7], $0x20, s3, s16, $0xb8;
	[tilespmem:$0xEE00] =	vst v63  }
0x6c: {  	_ =	swait.ge [sflag:s31], $0x1000  }
0x6d: {  	[sflag:s31] =	ssyncset.done $0x0  }
0x6e: {  	s5 =	simm.s32 $0x400;
	[sflag:s31] =	ssyncadd.s32 $0xFFFFF000  }
0x6f: {  	[tilespmem:s17], [sflag:$0x1] =	stream.indirect.gather [hbm4b:s4+s16], $0x20, s5, s16, $0xb8;
	[tilespmem:$0xEE00] =	vst v63  }
0x70: {  	_ =	swait.ge [sflag:s20], $0x1000  }
0x71: {  	[sflag:s20] =	ssyncset.done $0x0  }
0x72: {  	s1 =	simm.s32 $0x800;
	s3 =	simm.s32 $0x2B00;
	[sflag:s20] =	ssyncadd.s32 $0xFFFFF000  }
.LBB2_4:
0x73: {  	[spmem:s2] =	stream.indirect.scatter.add.f32 [tilespmem:s28], [sflag:$0x8], $0x20, s3, s16, $0xb8;
	[tilespmem:$0xEE00] =	vst v63  }
0x74: {  	s3 =	smov.u32 s1  }
0x75: {  	p1 =	sne.s32 s1, $0x8800;
	s1 =	sadd.s32 $0x800, s1;
	_ =	swait.ge [sflag:s24], $0x1000  }
0x76: {  	s3 =	sshra.s32 s3, $0x2;
	[sflag:s24] =	ssyncset.done $0x0  }
0x77: {  	s5 =	sadd.s32 $0x280, s3;
	[sflag:s24] =	ssyncadd.s32 $0xFFFFF000  }
0x78: {  	[tilespmem:s18], [sflag:$0x2] =	stream.indirect.gather [hbm4b:s4+s16], $0x20, s5, s16, $0xb8;
	[tilespmem:$0xEE00] =	vst v63  }
0x79: {  	_ =	swait.ge [sflag:s19], $0x1000  }
0x7a: {  	[sflag:s19] =	ssyncset.done $0x0  }
0x7b: {  	s5 =	sadd.s32 $0x2980, s3;
	[sflag:s19] =	ssyncadd.s32 $0xFFFFF000  }
0x7c: {  	[spmem:s2] =	stream.indirect.scatter.add.f32 [tilespmem:s17], [sflag:$0x5], $0x20, s5, s16, $0xb8;
	[tilespmem:$0xEE00] =	vst v63  }
0x7d: {  	_ =	swait.ge [sflag:s26], $0x1000  }
0x7e: {  	[sflag:s26] =	ssyncset.done $0x0  }
0x7f: {  	s5 =	sadd.s32 $0x300, s3;
	[sflag:s26] =	ssyncadd.s32 $0xFFFFF000  }
0x80: {  	[tilespmem:s21], [sflag:$0x3] =	stream.indirect.gather [hbm4b:s4+s16], $0x20, s5, s16, $0xb8;
	[tilespmem:$0xEE00] =	vst v63  }
0x81: {  	_ =	swait.ge [sflag:s22], $0x1000  }
0x82: {  	[sflag:s22] =	ssyncset.done $0x0  }
0x83: {  	s5 =	sadd.s32 $0x2A00, s3;
	[sflag:s22] =	ssyncadd.s32 $0xFFFFF000  }
0x84: {  	[spmem:s2] =	stream.indirect.scatter.add.f32 [tilespmem:s18], [sflag:$0x6], $0x20, s5, s16, $0xb8;
	[tilespmem:$0xEE00] =	vst v63  }
0x85: {  	_ =	swait.ge [sflag:s30], $0x1000  }
0x86: {  	[sflag:s30] =	ssyncset.done $0x0  }
0x87: {  	s5 =	sadd.s32 $0x380, s3;
	[sflag:s30] =	ssyncadd.s32 $0xFFFFF000  }
0x88: {  	[tilespmem:s28], [sflag:$0x4] =	stream.indirect.gather [hbm4b:s4+s16], $0x20, s5, s16, $0xb8;
	[tilespmem:$0xEE00] =	vst v63  }
0x89: {  	_ =	swait.ge [sflag:s29], $0x1000  }
0x8a: {  	[sflag:s29] =	ssyncset.done $0x0  }
0x8b: {  	s5 =	sadd.s32 $0x2A80, s3;
	[sflag:s29] =	ssyncadd.s32 $0xFFFFF000  }
0x8c: {  	[spmem:s2] =	stream.indirect.scatter.add.f32 [tilespmem:s21], [sflag:$0x7], $0x20, s5, s16, $0xb8;
	[tilespmem:$0xEE00] =	vst v63  }
0x8d: {  	_ =	swait.ge [sflag:s31], $0x1000  }
0x8e: {  	[sflag:s31] =	ssyncset.done $0x0  }
.Ltmp1:
0x8f: {  	s5 =	sadd.s32 $0x400, s3;
	[sflag:s31] =	ssyncadd.s32 $0xFFFFF000;
	(pc) =	sbr.rel @p1 .LBB2_4-.Ltmp1, $4  }
0x90: {  	[tilespmem:s17], [sflag:$0x1] =	stream.indirect.gather [hbm4b:s4+s16], $0x20, s5, s16, $0xb8;
	[tilespmem:$0xEE00] =	vst v63  }
0x91: {  	_ =	swait.ge [sflag:s20], $0x1000  }
0x92: {  	[sflag:s20] =	ssyncset.done $0x0  }
0x93: {  	s3 =	sadd.s32 $0x2B00, s3;
	[sflag:s20] =	ssyncadd.s32 $0xFFFFF000  }
0x94: {  	[spmem:s2] =	stream.indirect.scatter.add.f32 [tilespmem:s28], [sflag:$0x8], $0x20, s3, s16, $0xb8;
	[tilespmem:$0xEE00] =	vst v63  }
0x95: {  	_ =	swait.ge [sflag:s24], $0x1000  }
0x96: {  	[sflag:s24] =	ssyncset.done $0x0  }
0x97: {  	s1 =	simm.s32 $0x2680;
	[sflag:s24] =	ssyncadd.s32 $0xFFFFF000  }
0x98: {  	[tilespmem:s18], [sflag:$0x2] =	stream.indirect.gather [hbm4b:s4+s16], $0x20, s1, s16, $0xb8;
	[tilespmem:$0xEE00] =	vst v63  }
0x99: {  	_ =	swait.ge [sflag:s19], $0x1000  }
0x9a: {  	[sflag:s19] =	ssyncset.done $0x0  }
0x9b: {  	s5 =	simm.s32 $0x4D80;
	[sflag:s19] =	ssyncadd.s32 $0xFFFFF000  }
0x9c: {  	[spmem:s2] =	stream.indirect.scatter.add.f32 [tilespmem:s17], [sflag:$0x5], $0x20, s5, s16, $0xb8;
	[tilespmem:$0xEE00] =	vst v63  }
0x9d: {  	_ =	swait.ge [sflag:s26], $0x1000  }
0x9e: {  	[sflag:s26] =	ssyncset.done $0x0  }
0x9f: {  	s3 =	simm.s32 $0x2700;
	[sflag:s26] =	ssyncadd.s32 $0xFFFFF000  }
0xa0: {  	[tilespmem:s21], [sflag:$0x3] =	stream.indirect.gather [hbm4b:s4+s16], $0x20, s3, s16, $0xb8;
	[tilespmem:$0xEE00] =	vst v63  }
0xa1: {  	_ =	swait.ge [sflag:s22], $0x1000  }
0xa2: {  	[sflag:s22] =	ssyncset.done $0x0  }
0xa3: {  	s5 =	simm.s32 $0x4E00;
	[sflag:s22] =	ssyncadd.s32 $0xFFFFF000  }
0xa4: {  	[spmem:s2] =	stream.indirect.scatter.add.f32 [tilespmem:s18], [sflag:$0x6], $0x20, s5, s16, $0xb8;
	[tilespmem:$0xEE00] =	vst v63  }
0xa5: {  	_ =	swait.ge [sflag:s29], $0x1000  }
0xa6: {  	[sflag:s29] =	ssyncset.done $0x0  }
0xa7: {  	s3 =	simm.s32 $0x4E80;
	[sflag:s29] =	ssyncadd.s32 $0xFFFFF000  }
0xa8: {  	[spmem:s2] =	stream.indirect.scatter.add.f32 [tilespmem:s21], [sflag:$0x7], $0x20, s3, s16, $0xb8;
	[tilespmem:$0xEE00] =	vst v63  }
0xa9: {  	_ =	swait.ge [sflag:s31], $0x1000  }
0xaa: {  	[sflag:s31] =	ssyncset.done $0x0  }
0xab: {  	[sflag:s31] =	ssyncadd.s32 $0xFFFFF000  }
0xac: {  	_ =	swait.ge [sflag:s24], $0x1000  }
0xad: {  	[sflag:s24] =	ssyncset.done $0x0  }
0xae: {  	[sflag:s24] =	ssyncadd.s32 $0xFFFFF000  }
0xaf: {  	_ =	swait.ge [sflag:s26], $0x1000  }
0xb0: {  	[sflag:s26] =	ssyncset.done $0x0  }
0xb1: {  	[sflag:s26] =	ssyncadd.s32 $0xFFFFF000  }
0xb2: {  	_ =	swait.ge [sflag:s30], $0x1000  }
0xb3: {  	s0 =	sadd.s32 $0x1, s0;
	s5 =	stileid.u32;
	[sflag:s30] =	ssyncset.done $0x0  }
0xb4: {  	p1 =	sne.s32 s0, s12;
	s1 =	sshll.u32 s5, $0x6;
	[sflag:s30] =	ssyncadd.s32 $0xFFFFF000  }
.Ltmp2:
0xb5: {  	s1 =	sor.u32 $0x1C09, s1;
	[bflag:$0x0] =	sbarrier.arrive $0xFFFF;
	(pc) =	sbr.rel @p1 .LBB2_1-.Ltmp2, $4  }
0xb6: {  	[hbm:s23], [sflag:s1] =	dma.local [spmem:s25], $0x9E0  }
0xb7: {  	_ =	swait.ge [sflag:s13], $0x9E0  }
0xb8: {  	[sflag:s13] =	ssyncset.done $0x0  }
0xb9: {  	[sflag:s13] =	ssyncadd.s32 $0xFFFFF620  }
0xba: {  	_ =	sfence.sel $0x180000  }
0xbb: {  	[bflag:$0x0] =	sbarrier.arrive $0xFFFF  }
0xbc: {  	_ =	strace $0x9000004A  }
0xbd: {  	s0 =	stileid.u32;
	[bflag:$0x2] =	sbarrier.arrive $0xFFFF  }
0xbe: {  	p0 =	sne.s32 s0, $0x0;
	s0 =	rddreg [dreg:$0x3]  }
0xbf: {  	s0 =	sadd.s32 @!p0 $0x100000, s0  }
0xc0: {  	[sflag:s0] =	ssyncadd.tile.s32 @!p0 $0x1;
	_ =	shalt  }
.Lfunc_end2:
_tile_overlayer_lowered:
.L_overlay_start_2:
0xc1: {  	(tag) =	ssettag $0x2  }
0xc2: {  	s0 =	rddreg [dreg:$0x0];
	s2 =	stileid.u32  }
0xc3: {  	s1 =	rddreg [dreg:$0x1];
	p0 =	sne.s32 s2, $0x0  }
0xc4: {  	s3 =	rddreg [dreg:$0x2];
	[bflag:$0x3] =	sbarrier.arrive $0xFFFF;
	s2 =	simm.s32 @!p0 $0x1C09  }
0xc5: {  	[timem:s3], [sflag:s2] =	dma.local @!p0 [hbm:s0], s1  }
0xc6: {  	s0 =	simm.s32 @!p0 $0x9  }
0xc7: {  	_ =	swait.ge @!p0 [sflag:s0], s1  }
0xc8: {  	s1 =	ssub.s32 @!p0 $0x0, s1;
	[sflag:s0] =	ssyncset.done @!p0 $0x0  }
0xc9: {  	[sflag:s0] =	ssyncadd.s32 @!p0 s1  }
0xca: {  	[bflag:$0x3] =	sbarrier.arrive $0xFFFF  }
0xcb: {  	_ =	shalt  }

</sc_bundles>
